<compile_context>
chip_gen: v7x
topology: tpu7x:2x2x1
jax: 0.10.2.dev20260603
libtpu: 0.0.44.dev20260713+nightly
codegen_flags: <defaults>
</compile_context>

<pallas_src>
import functools

import jax
import jax.numpy as jnp
from jax import lax
from jax.experimental import pallas as pl
from jax.experimental.pallas import tpu as pltpu
from jax.experimental.pallas import tpu_sc as plsc

N = 10000
E = 320000
D = 128
H = 128

NC = 2
NS = 16
NW = NC * NS

K = 128
EPT = 10368
NCHUNK = EPT // K
G = 9
NBLK = NCHUNK // G
E_PAD = EPT * NW
N_PAD = 10112
RPT = N_PAD // NS
DW = 128

_mesh = plsc.VectorSubcoreMesh(core_axis_name="c", subcore_axis_name="s")


@functools.partial(
    pl.kernel,
    mesh=_mesh,
    out_type=jax.ShapeDtypeStruct((NC, N_PAD, DW), jnp.float32),
    scratch_types=(
        [pltpu.VMEM((K,), jnp.int32)] * G
        + [
            pltpu.VMEM((K, DW), jnp.float32),
            pltpu.VMEM_SHARED((N_PAD, DW), jnp.float32),
            pltpu.SemaphoreType.DMA,
            pltpu.SemaphoreType.DMA,
        ]
    ),
)
def _deg_pass(dstf_hbm, ones_hbm, z_hbm, out_hbm, *rest):
    dst_v = rest[:G]
    ones_v, acc_sh, semi, sems = rest[G:]
    c = lax.axis_index("c")
    s = lax.axis_index("s")
    w = c * NS + s
    r0 = s * RPT
    pltpu.sync_copy(z_hbm.at[pl.ds(r0, RPT)], acc_sh.at[pl.ds(r0, RPT)])
    pltpu.sync_copy(ones_hbm, ones_v)
    plsc.subcore_barrier()
    base = w * EPT

    @pl.loop(0, NBLK)
    def _(g):
        base_g = base + g * (G * K)
        dld = [
            pltpu.async_copy(
                dstf_hbm.at[pl.ds(base_g + k * K, K)], dst_v[k], semi)
            for k in range(G)
        ]
        dsc = []
        for k in range(G):
            dld[k].wait()
            dsc.append(
                pltpu.async_copy(ones_v, acc_sh.at[dst_v[k]], sems,
                                 add=True))
        for d in dsc:
            d.wait()

    plsc.subcore_barrier()
    pltpu.sync_copy(acc_sh.at[pl.ds(r0, RPT)], out_hbm.at[c, pl.ds(r0, RPT)])


@functools.partial(
    pl.kernel,
    mesh=_mesh,
    out_type=jax.ShapeDtypeStruct((NC, N_PAD, H), jnp.float32),
    scratch_types=(
        [pltpu.VMEM((K,), jnp.int32)] * 6
        + [pltpu.VMEM((K, H), jnp.float32)] * 3
        + [pltpu.VMEM_SHARED((N_PAD, H), jnp.float32)]
        + [pltpu.SemaphoreType.DMA] * 9
    ),
)
def _edge_pass(hs_hbm, srcf_hbm, dstf_hbm, z_hbm, out_hbm, *rest):
    src_v = rest[0:3]
    dst_v = rest[3:6]
    rows = rest[6:9]
    acc_sh = rest[9]
    semis = rest[10:13]
    semid = rest[13:16]
    semg = rest[16:19]
    c = lax.axis_index("c")
    s = lax.axis_index("s")
    w = c * NS + s
    r0 = s * RPT
    pltpu.sync_copy(z_hbm.at[pl.ds(r0, RPT)], acc_sh.at[pl.ds(r0, RPT)])
    plsc.subcore_barrier()
    base = w * EPT

    def load_idx(i, p):
        off = base + i * K
        pltpu.async_copy(srcf_hbm.at[pl.ds(off, K)], src_v[p], semis[p])
        pltpu.async_copy(dstf_hbm.at[pl.ds(off, K)], dst_v[p], semid[p])

    def wait_src(i, p):
        pltpu.make_async_copy(srcf_hbm.at[pl.ds(base + i * K, K)], src_v[p],
                              semis[p]).wait()

    def wait_dst(i, p):
        pltpu.make_async_copy(dstf_hbm.at[pl.ds(base + i * K, K)], dst_v[p],
                              semid[p]).wait()

    def start_gather(p):
        pltpu.async_copy(hs_hbm.at[src_v[p]], rows[p], semg[p])

    def wait_gather(p):
        pltpu.make_async_copy(hs_hbm.at[src_v[p]], rows[p], semg[p]).wait()

    load_idx(0, 0)
    load_idx(1, 1)
    load_idx(2, 2)
    wait_src(0, 0)
    start_gather(0)
    wait_src(1, 1)
    start_gather(1)

    @pl.loop(0, NCHUNK // 3)
    def _(j):
        i = j * 3

        def third(ic, p):
            wait_gather(p)

            @pl.when(ic + 2 < NCHUNK)
            def _():
                wait_src(ic + 2, (p + 2) % 3)
                start_gather((p + 2) % 3)

            wait_dst(ic, p)
            pltpu.sync_copy(rows[p], acc_sh.at[dst_v[p]], add=True)

            @pl.when(ic + 3 < NCHUNK)
            def _():
                load_idx(ic + 3, p)

        third(i, 0)
        third(i + 1, 1)
        third(i + 2, 2)

    plsc.subcore_barrier()
    pltpu.sync_copy(acc_sh.at[pl.ds(r0, RPT)], out_hbm.at[c, pl.ds(r0, RPT)])


def _prep_body(x_ref, w_ref, deg_ref, ht_ref, hs_ref, dinv_ref):
    deg = deg_ref[0, :, 0:1] + deg_ref[1, :, 0:1] + 1.0
    dinv = lax.rsqrt(deg)
    ht = jnp.dot(x_ref[...], w_ref[...], preferred_element_type=jnp.float32)
    ht_ref[...] = ht
    hs_ref[...] = ht * dinv
    dinv_ref[...] = dinv


def _mid_body(acc_ref, ht_ref, dinv_ref, b_ref, g_ref, be_ref, w2_ref,
              ht2_ref, hs2_ref):
    dinv = dinv_ref[...]
    u = (dinv * (acc_ref[0] + acc_ref[1])
         + (dinv * dinv) * ht_ref[...] + b_ref[...])
    uv = u[0:N, :]
    mean = jnp.mean(uv, axis=0, keepdims=True)
    var = jnp.mean((uv - mean) ** 2, axis=0, keepdims=True)
    y = jnp.maximum(
        g_ref[...] * (u - mean) * lax.rsqrt(var + 1e-5) + be_ref[...], 0.0)
    ht2 = jnp.dot(y, w2_ref[...], preferred_element_type=jnp.float32)
    ht2_ref[...] = ht2
    hs2_ref[...] = ht2 * dinv


def _fin_body(acc_ref, ht_ref, dinv_ref, b_ref, g_ref, be_ref, out_ref):
    dinv = dinv_ref[...]
    u = (dinv * (acc_ref[0] + acc_ref[1])
         + (dinv * dinv) * ht_ref[...] + b_ref[...])
    uv = u[0:N, :]
    mean = jnp.mean(uv, axis=0, keepdims=True)
    var = jnp.mean((uv - mean) ** 2, axis=0, keepdims=True)
    y = g_ref[...] * (uv - mean) * lax.rsqrt(var + 1e-5) + be_ref[...]
    out_ref[...] = jnp.maximum(y, 0.0)


def kernel(x, edge_index, W1, b1, g1, be1, W2, b2, g2, be2):
    f32 = jnp.float32
    src = edge_index[0]
    dst = edge_index[1]
    pad = jnp.full((E_PAD - E,), N, dtype=jnp.int32)
    src_p = jnp.concatenate([src, pad])
    dst_p = jnp.concatenate([dst, pad])
    x_p = jnp.pad(x, ((0, N_PAD - N), (0, 0)))
    ones_k = jnp.ones((K, DW), dtype=f32)
    zeros_d = jnp.zeros((N_PAD, DW), dtype=f32)
    zeros_h = jnp.zeros((N_PAD, H), dtype=f32)
    b1r, g1r, be1r = b1.reshape(1, H), g1.reshape(1, H), be1.reshape(1, H)
    b2r, g2r, be2r = b2.reshape(1, H), g2.reshape(1, H), be2.reshape(1, H)

    degacc = _deg_pass(dst_p, ones_k, zeros_d)

    ht1, hs1, dinv = pl.pallas_call(
        _prep_body,
        out_shape=[
            jax.ShapeDtypeStruct((N_PAD, H), f32),
            jax.ShapeDtypeStruct((N_PAD, H), f32),
            jax.ShapeDtypeStruct((N_PAD, 1), f32),
        ],
    )(x_p, W1, degacc)

    acc1 = _edge_pass(hs1, src_p, dst_p, zeros_h)

    ht2, hs2 = pl.pallas_call(
        _mid_body,
        out_shape=[
            jax.ShapeDtypeStruct((N_PAD, H), f32),
            jax.ShapeDtypeStruct((N_PAD, H), f32),
        ],
    )(acc1, ht1, dinv, b1r, g1r, be1r, W2)

    acc2 = _edge_pass(hs2, src_p, dst_p, zeros_h)

    out = pl.pallas_call(
        _fin_body,
        out_shape=jax.ShapeDtypeStruct((N, H), f32),
    )(acc2, ht2, dinv, b2r, g2r, be2r)
    return out

# --- scband reference (transcript-rebuilt; emitter-appended) ---
"""Pipeline reference for scband-gcnencoder-26723286515821 (READ-ONLY COPY).

The authoritative reference and input builder live on the scoring server;
editing this copy changes nothing except your own understanding.
"""

import jax, jax.numpy as jnp
import numpy as np

N = 10000
E = 320000
D = 128
H = 128


def setup_inputs(seed: int = 0) -> dict:
    key = jax.random.key(seed)
    ks = jax.random.split(key, 12)
    x = jax.random.normal(ks[0], (N, D), dtype=jnp.float32)
    edge_index = jax.random.randint(ks[1], (2, E), 0, N, dtype=jnp.int32)
    s1 = 1.0 / np.sqrt(D)
    s2 = 1.0 / np.sqrt(H)
    W1 = jax.random.normal(ks[2], (D, H), dtype=jnp.float32) * s1
    b1 = jnp.zeros((H,), dtype=jnp.float32)
    g1 = jnp.ones((H,), dtype=jnp.float32)
    be1 = jnp.zeros((H,), dtype=jnp.float32)
    W2 = jax.random.normal(ks[3], (H, H), dtype=jnp.float32) * s2
    b2 = jnp.zeros((H,), dtype=jnp.float32)
    g2 = jnp.ones((H,), dtype=jnp.float32)
    be2 = jnp.zeros((H,), dtype=jnp.float32)
    return {"x": x, "edge_index": edge_index, "W1": W1, "b1": b1, "g1": g1, "be1": be1, "W2": W2, "b2": b2, "g2": g2, "be2": be2}


def _gcn_conv(x, W, b, src, dst, n):
    # GCNConv with normalize=True: add self-loops, symmetric degree norm
    h = x @ W
    loop = jnp.arange(n, dtype=src.dtype)
    src2 = jnp.concatenate([src, loop])
    dst2 = jnp.concatenate([dst, loop])
    ones = jnp.ones(src2.shape[0], dtype=h.dtype)
    deg = jnp.zeros((n,), dtype=h.dtype).at[dst2].add(ones)
    dinv = jnp.where(deg > 0, 1.0 / jnp.sqrt(deg), 0.0)
    norm = dinv[src2] * dinv[dst2]
    msg = h[src2] * norm[:, None]
    out = jnp.zeros((n, h.shape[1]), dtype=h.dtype).at[dst2].add(msg)
    return out + b


def _bn(x, gamma, beta, eps=1e-5):
    mean = jnp.mean(x, axis=0)
    var = jnp.var(x, axis=0)
    xh = (x - mean) / jnp.sqrt(var + eps)
    return gamma * xh + beta


def reference(x, edge_index, W1, b1, g1, be1, W2, b2, g2, be2):
    src = edge_index[0]
    dst = edge_index[1]
    h = _gcn_conv(x, W1, b1, src, dst, N)
    h = _bn(h, g1, be1)
    h = jax.nn.relu(h)
    h = _gcn_conv(h, W2, b2, src, dst, N)
    h = _bn(h, g2, be2)
    h = jax.nn.relu(h)
    return h

if __name__ == "__main__":
    import jax
    _d = setup_inputs()
    print(jax.jit(kernel)(*tuple(_d.values())))

</pallas_src>

<mosaic_0001>
#map = affine_map<(d0, d1) -> (0, 0)>
#map1 = affine_map<(d0, d1) -> (0)>
#map2 = affine_map<(d0, d1) -> (0, 0, 0)>
module attributes {stable_mosaic.version = 14 : i64} {
  func.func @_edge_pass(%arg0: i32, %arg1: i32, %arg2: memref<10112x128xf32, #tpu.memory_space<hbm>>, %arg3: memref<331776xi32, #tpu.memory_space<hbm>>, %arg4: memref<331776xi32, #tpu.memory_space<hbm>>, %arg5: memref<10112x128xf32, #tpu.memory_space<hbm>>, %arg6: memref<2x10112x128xf32, #tpu.memory_space<hbm>>, %arg7: memref<128xi32, #tpu.memory_space<vmem>>, %arg8: memref<128xi32, #tpu.memory_space<vmem>>, %arg9: memref<128xi32, #tpu.memory_space<vmem>>, %arg10: memref<128xi32, #tpu.memory_space<vmem>>, %arg11: memref<128xi32, #tpu.memory_space<vmem>>, %arg12: memref<128xi32, #tpu.memory_space<vmem>>, %arg13: memref<128x128xf32, #tpu.memory_space<vmem>>, %arg14: memref<128x128xf32, #tpu.memory_space<vmem>>, %arg15: memref<128x128xf32, #tpu.memory_space<vmem>>, %arg16: memref<10112x128xf32, #tpu.memory_space<vmem_shared>>, %arg17: memref<!tpu.dma_semaphore, #tpu.memory_space<semaphore_mem>>, %arg18: memref<!tpu.dma_semaphore, #tpu.memory_space<semaphore_mem>>, %arg19: memref<!tpu.dma_semaphore, #tpu.memory_space<semaphore_mem>>, %arg20: memref<!tpu.dma_semaphore, #tpu.memory_space<semaphore_mem>>, %arg21: memref<!tpu.dma_semaphore, #tpu.memory_space<semaphore_mem>>, %arg22: memref<!tpu.dma_semaphore, #tpu.memory_space<semaphore_mem>>, %arg23: memref<!tpu.dma_semaphore, #tpu.memory_space<semaphore_mem>>, %arg24: memref<!tpu.dma_semaphore, #tpu.memory_space<semaphore_mem>>, %arg25: memref<!tpu.dma_semaphore, #tpu.memory_space<semaphore_mem>>) attributes {dimension_semantics = [#tpu.dimension_semantics<core_parallel>, #tpu.dimension_semantics<subcore_parallel>], iteration_bounds = array<i64: 2, 16>, scalar_prefetch = 0 : i64, scratch_operands = 19 : i64, tpu.core_type = #tpu.core_type<sc_vector_subcore>, window_params = [{transform_indices = #map}, {transform_indices = #map1}, {transform_indices = #map1}, {transform_indices = #map}, {transform_indices = #map2}]} {
    %mul3A = arith.constant 16 : i32
    %mul3A_0 = arith.muli %arg0, %mul3A : i32
    %add3A = arith.addi %mul3A_0, %arg1 : i32
    %mul3A_1 = arith.constant 632 : i32
    %mul3A_2 = arith.muli %arg1, %mul3A_1 : i32
    "tpu.region"() ({
      %run_scoped3A = tpu.sem_alloc : memref<!tpu.dma_semaphore, #tpu.memory_space<semaphore_mem>>
      %dma_start3A_40 = arith.constant 0 : i32
      %dma_start3A_41 = tpu.memref_slice %arg16[%mul3A_2, %dma_start3A_40] : memref<10112x128xf32, #tpu.memory_space<vmem_shared>> -> memref<632x128xf32, #tpu.memory_space<vmem_shared>>
      %dma_start3A_42 = arith.constant 0 : i32
      %dma_start3A_43 = tpu.memref_slice %arg5[%mul3A_2, %dma_start3A_42] : memref<10112x128xf32, #tpu.memory_space<hbm>> -> memref<632x128xf32, #tpu.memory_space<hbm>>
      tpu.enqueue_dma source(%dma_start3A_43 : memref<632x128xf32, #tpu.memory_space<hbm>>) target(%dma_start3A_41 : memref<632x128xf32, #tpu.memory_space<vmem_shared>>) target_semaphore(%run_scoped3A : memref<!tpu.dma_semaphore, #tpu.memory_space<semaphore_mem>>)
      %dma_wait3A_44 = arith.constant 0 : i32
      %dma_wait3A_45 = tpu.memref_slice %arg16[%mul3A_2, %dma_wait3A_44] : memref<10112x128xf32, #tpu.memory_space<vmem_shared>> -> memref<632x128xf32, #tpu.memory_space<vmem_shared>>
      %dma_wait3A_46 = arith.constant 0 : i32
      %dma_wait3A_47 = tpu.memref_slice %arg5[%mul3A_2, %dma_wait3A_46] : memref<10112x128xf32, #tpu.memory_space<hbm>> -> memref<632x128xf32, #tpu.memory_space<hbm>>
      tpu.wait_dma2 semaphore(%run_scoped3A : memref<!tpu.dma_semaphore, #tpu.memory_space<semaphore_mem>>) src(%dma_wait3A_47 : memref<632x128xf32, #tpu.memory_space<hbm>>) dst(%dma_wait3A_45 : memref<632x128xf32, #tpu.memory_space<vmem_shared>>)
      tpu.yield
    }) : () -> ()
    %barrier3A = arith.constant 0 : index
    tpu.barrier barrier_id(%barrier3A)
    %mul3A_3 = arith.constant 10368 : i32
    %mul3A_4 = arith.muli %add3A, %mul3A_3 : i32
    %add3A_5 = arith.constant 0 : i32
    %add3A_6 = arith.addi %mul3A_4, %add3A_5 : i32
    %dma_start3A = tpu.memref_slice %arg3[%add3A_6] : memref<331776xi32, #tpu.memory_space<hbm>> -> memref<128xi32, #tpu.memory_space<hbm>>
    %dma_start3A_7 = tpu.memref_slice %arg3[%add3A_6] : memref<331776xi32, #tpu.memory_space<hbm>> -> memref<128xi32, #tpu.memory_space<hbm>>
    tpu.enqueue_dma source(%dma_start3A_7 : memref<128xi32, #tpu.memory_space<hbm>>) target(%arg7 : memref<128xi32, #tpu.memory_space<vmem>>) target_semaphore(%arg17 : memref<!tpu.dma_semaphore, #tpu.memory_space<semaphore_mem>>)
    %dma_start3A_8 = tpu.memref_slice %arg4[%add3A_6] : memref<331776xi32, #tpu.memory_space<hbm>> -> memref<128xi32, #tpu.memory_space<hbm>>
    %dma_start3A_9 = tpu.memref_slice %arg4[%add3A_6] : memref<331776xi32, #tpu.memory_space<hbm>> -> memref<128xi32, #tpu.memory_space<hbm>>
    tpu.enqueue_dma source(%dma_start3A_9 : memref<128xi32, #tpu.memory_space<hbm>>) target(%arg10 : memref<128xi32, #tpu.memory_space<vmem>>) target_semaphore(%arg20 : memref<!tpu.dma_semaphore, #tpu.memory_space<semaphore_mem>>)
    %add3A_10 = arith.constant 128 : i32
    %add3A_11 = arith.addi %mul3A_4, %add3A_10 : i32
    %dma_start3A_12 = tpu.memref_slice %arg3[%add3A_11] : memref<331776xi32, #tpu.memory_space<hbm>> -> memref<128xi32, #tpu.memory_space<hbm>>
    %dma_start3A_13 = tpu.memref_slice %arg3[%add3A_11] : memref<331776xi32, #tpu.memory_space<hbm>> -> memref<128xi32, #tpu.memory_space<hbm>>
    tpu.enqueue_dma source(%dma_start3A_13 : memref<128xi32, #tpu.memory_space<hbm>>) target(%arg8 : memref<128xi32, #tpu.memory_space<vmem>>) target_semaphore(%arg18 : memref<!tpu.dma_semaphore, #tpu.memory_space<semaphore_mem>>)
    %dma_start3A_14 = tpu.memref_slice %arg4[%add3A_11] : memref<331776xi32, #tpu.memory_space<hbm>> -> memref<128xi32, #tpu.memory_space<hbm>>
    %dma_start3A_15 = tpu.memref_slice %arg4[%add3A_11] : memref<331776xi32, #tpu.memory_space<hbm>> -> memref<128xi32, #tpu.memory_space<hbm>>
    tpu.enqueue_dma source(%dma_start3A_15 : memref<128xi32, #tpu.memory_space<hbm>>) target(%arg11 : memref<128xi32, #tpu.memory_space<vmem>>) target_semaphore(%arg21 : memref<!tpu.dma_semaphore, #tpu.memory_space<semaphore_mem>>)
    %add3A_16 = arith.constant 256 : i32
    %add3A_17 = arith.addi %mul3A_4, %add3A_16 : i32
    %dma_start3A_18 = tpu.memref_slice %arg3[%add3A_17] : memref<331776xi32, #tpu.memory_space<hbm>> -> memref<128xi32, #tpu.memory_space<hbm>>
    %dma_start3A_19 = tpu.memref_slice %arg3[%add3A_17] : memref<331776xi32, #tpu.memory_space<hbm>> -> memref<128xi32, #tpu.memory_space<hbm>>
    tpu.enqueue_dma source(%dma_start3A_19 : memref<128xi32, #tpu.memory_space<hbm>>) target(%arg9 : memref<128xi32, #tpu.memory_space<vmem>>) target_semaphore(%arg19 : memref<!tpu.dma_semaphore, #tpu.memory_space<semaphore_mem>>)
    %dma_start3A_20 = tpu.memref_slice %arg4[%add3A_17] : memref<331776xi32, #tpu.memory_space<hbm>> -> memref<128xi32, #tpu.memory_space<hbm>>
    %dma_start3A_21 = tpu.memref_slice %arg4[%add3A_17] : memref<331776xi32, #tpu.memory_space<hbm>> -> memref<128xi32, #tpu.memory_space<hbm>>
    tpu.enqueue_dma source(%dma_start3A_21 : memref<128xi32, #tpu.memory_space<hbm>>) target(%arg12 : memref<128xi32, #tpu.memory_space<vmem>>) target_semaphore(%arg22 : memref<!tpu.dma_semaphore, #tpu.memory_space<semaphore_mem>>)
    %add3A_22 = arith.constant 0 : i32
    %add3A_23 = arith.addi %mul3A_4, %add3A_22 : i32
    %dma_wait3A = tpu.memref_slice %arg3[%add3A_23] : memref<331776xi32, #tpu.memory_space<hbm>> -> memref<128xi32, #tpu.memory_space<hbm>>
    %dma_wait3A_24 = tpu.memref_slice %arg3[%add3A_23] : memref<331776xi32, #tpu.memory_space<hbm>> -> memref<128xi32, #tpu.memory_space<hbm>>
    tpu.wait_dma2 semaphore(%arg17 : memref<!tpu.dma_semaphore, #tpu.memory_space<semaphore_mem>>) src(%dma_wait3A_24 : memref<128xi32, #tpu.memory_space<hbm>>) dst(%arg7 : memref<128xi32, #tpu.memory_space<vmem>>)
    %dma_start3A_25 = arith.constant 0 : i32
    %dma_start3A_26 = arith.constant 0 : i32
    %dma_start3A_27 = tpu.memref_slice %arg2[%dma_start3A_25, %dma_start3A_26] : memref<10112x128xf32, #tpu.memory_space<hbm>> -> memref<10112x128xf32, #tpu.memory_space<hbm>>
    tpu.enqueue_indirect_dma source(%dma_start3A_27 : memref<10112x128xf32, #tpu.memory_space<hbm>>) target(%arg13 : memref<128x128xf32, #tpu.memory_space<vmem>>) offsets(%arg7 : memref<128xi32, #tpu.memory_space<vmem>>) semaphore(%arg23 : memref<!tpu.dma_semaphore, #tpu.memory_space<semaphore_mem>>)
    %add3A_28 = arith.constant 128 : i32
    %add3A_29 = arith.addi %mul3A_4, %add3A_28 : i32
    %dma_wait3A_30 = tpu.memref_slice %arg3[%add3A_29] : memref<331776xi32, #tpu.memory_space<hbm>> -> memref<128xi32, #tpu.memory_space<hbm>>
    %dma_wait3A_31 = tpu.memref_slice %arg3[%add3A_29] : memref<331776xi32, #tpu.memory_space<hbm>> -> memref<128xi32, #tpu.memory_space<hbm>>
    tpu.wait_dma2 semaphore(%arg18 : memref<!tpu.dma_semaphore, #tpu.memory_space<semaphore_mem>>) src(%dma_wait3A_31 : memref<128xi32, #tpu.memory_space<hbm>>) dst(%arg8 : memref<128xi32, #tpu.memory_space<vmem>>)
    %dma_start3A_32 = arith.constant 0 : i32
    %dma_start3A_33 = arith.constant 0 : i32
    %dma_start3A_34 = tpu.memref_slice %arg2[%dma_start3A_32, %dma_start3A_33] : memref<10112x128xf32, #tpu.memory_space<hbm>> -> memref<10112x128xf32, #tpu.memory_space<hbm>>
    tpu.enqueue_indirect_dma source(%dma_start3A_34 : memref<10112x128xf32, #tpu.memory_space<hbm>>) target(%arg14 : memref<128x128xf32, #tpu.memory_space<vmem>>) offsets(%arg8 : memref<128xi32, #tpu.memory_space<vmem>>) semaphore(%arg24 : memref<!tpu.dma_semaphore, #tpu.memory_space<semaphore_mem>>)
    %scan3A = arith.constant 0 : i32
    %scan3A_35 = arith.constant 27 : i32
    %scan3A_36 = arith.addi %scan3A, %scan3A_35 : i32
    %scan3A_37 = arith.constant 1 : i32
    scf.for %scan3A_40 = %scan3A to %scan3A_36 step %scan3A_37  : i32 {
      %mul3A_41 = arith.constant 1 : i32
      %mul3A_42 = arith.muli %scan3A_40, %mul3A_41 : i32
      %add3A_43 = arith.constant 0 : i32
      %add3A_44 = arith.addi %add3A_43, %mul3A_42 : i32
      %mul3A_45 = arith.constant 3 : i32
      %mul3A_46 = arith.muli %add3A_44, %mul3A_45 : i32
      %dma_wait3A_47 = arith.constant 0 : i32
      %dma_wait3A_48 = arith.constant 0 : i32
      %dma_wait3A_49 = tpu.memref_slice %arg2[%dma_wait3A_47, %dma_wait3A_48] : memref<10112x128xf32, #tpu.memory_space<hbm>> -> memref<10112x128xf32, #tpu.memory_space<hbm>>
      tpu.wait_indirect_dma semaphore(%arg23 : memref<!tpu.dma_semaphore, #tpu.memory_space<semaphore_mem>>) src(%dma_wait3A_49 : memref<10112x128xf32, #tpu.memory_space<hbm>>) dst(%arg13 : memref<128x128xf32, #tpu.memory_space<vmem>>)
      %add3A_50 = arith.constant 2 : i32
      %add3A_51 = arith.addi %mul3A_46, %add3A_50 : i32
      %lt3A = arith.constant 81 : i32
      %lt3A_52 = arith.cmpi slt, %add3A_51, %lt3A : i32
      %convert_element_type3A = arith.extui %lt3A_52 : i1 to i32
      %cond3A = arith.constant 0 : i32
      %cond3A_53 = arith.cmpi ne, %convert_element_type3A, %cond3A : i32
      scf.if %cond3A_53 {
        %add3A_114 = arith.constant 2 : i32
        %add3A_115 = arith.addi %mul3A_46, %add3A_114 : i32
        %mul3A_116 = arith.constant 128 : i32
        %mul3A_117 = arith.muli %add3A_115, %mul3A_116 : i32
        %add3A_118 = arith.addi %mul3A_4, %mul3A_117 : i32
        %dma_wait3A_119 = tpu.memref_slice %arg3[%add3A_118] : memref<331776xi32, #tpu.memory_space<hbm>> -> memref<128xi32, #tpu.memory_space<hbm>>
        %dma_wait3A_120 = tpu.memref_slice %arg3[%add3A_118] : memref<331776xi32, #tpu.memory_space<hbm>> -> memref<128xi32, #tpu.memory_space<hbm>>
        tpu.wait_dma2 semaphore(%arg19 : memref<!tpu.dma_semaphore, #tpu.memory_space<semaphore_mem>>) src(%dma_wait3A_120 : memref<128xi32, #tpu.memory_space<hbm>>) dst(%arg9 : memref<128xi32, #tpu.memory_space<vmem>>)
        %dma_start3A_121 = arith.constant 0 : i32
        %dma_start3A_122 = arith.constant 0 : i32
        %dma_start3A_123 = tpu.memref_slice %arg2[%dma_start3A_121, %dma_start3A_122] : memref<10112x128xf32, #tpu.memory_space<hbm>> -> memref<10112x128xf32, #tpu.memory_space<hbm>>
        tpu.enqueue_indirect_dma source(%dma_start3A_123 : memref<10112x128xf32, #tpu.memory_space<hbm>>) target(%arg15 : memref<128x128xf32, #tpu.memory_space<vmem>>) offsets(%arg9 : memref<128xi32, #tpu.memory_space<vmem>>) semaphore(%arg25 : memref<!tpu.dma_semaphore, #tpu.memory_space<semaphore_mem>>)
      } else {
      }
      %mul3A_54 = arith.constant 128 : i32
      %mul3A_55 = arith.muli %mul3A_46, %mul3A_54 : i32
      %add3A_56 = arith.addi %mul3A_4, %mul3A_55 : i32
      %dma_wait3A_57 = tpu.memref_slice %arg4[%add3A_56] : memref<331776xi32, #tpu.memory_space<hbm>> -> memref<128xi32, #tpu.memory_space<hbm>>
      %dma_wait3A_58 = tpu.memref_slice %arg4[%add3A_56] : memref<331776xi32, #tpu.memory_space<hbm>> -> memref<128xi32, #tpu.memory_space<hbm>>
      tpu.wait_dma2 semaphore(%arg20 : memref<!tpu.dma_semaphore, #tpu.memory_space<semaphore_mem>>) src(%dma_wait3A_58 : memref<128xi32, #tpu.memory_space<hbm>>) dst(%arg10 : memref<128xi32, #tpu.memory_space<vmem>>)
      "tpu.region"() ({
        %run_scoped3A = tpu.sem_alloc : memref<!tpu.dma_semaphore, #tpu.memory_space<semaphore_mem>>
        %dma_start3A_114 = arith.constant 0 : i32
        %dma_start3A_115 = arith.constant 0 : i32
        %dma_start3A_116 = tpu.memref_slice %arg16[%dma_start3A_114, %dma_start3A_115] : memref<10112x128xf32, #tpu.memory_space<vmem_shared>> -> memref<10112x128xf32, #tpu.memory_space<vmem_shared>>
        tpu.enqueue_indirect_dma source(%arg13 : memref<128x128xf32, #tpu.memory_space<vmem>>) target(%dma_start3A_116 : memref<10112x128xf32, #tpu.memory_space<vmem_shared>>) offsets(%arg10 : memref<128xi32, #tpu.memory_space<vmem>>) semaphore(%run_scoped3A : memref<!tpu.dma_semaphore, #tpu.memory_space<semaphore_mem>>) {add = true}
        %dma_wait3A_117 = arith.constant 0 : i32
        %dma_wait3A_118 = arith.constant 0 : i32
        %dma_wait3A_119 = tpu.memref_slice %arg16[%dma_wait3A_117, %dma_wait3A_118] : memref<10112x128xf32, #tpu.memory_space<vmem_shared>> -> memref<10112x128xf32, #tpu.memory_space<vmem_shared>>
        tpu.wait_indirect_dma semaphore(%run_scoped3A : memref<!tpu.dma_semaphore, #tpu.memory_space<semaphore_mem>>) src(%arg13 : memref<128x128xf32, #tpu.memory_space<vmem>>) dst(%dma_wait3A_119 : memref<10112x128xf32, #tpu.memory_space<vmem_shared>>)
        tpu.yield
      }) : () -> ()
      %add3A_59 = arith.constant 3 : i32
      %add3A_60 = arith.addi %mul3A_46, %add3A_59 : i32
      %lt3A_61 = arith.constant 81 : i32
      %lt3A_62 = arith.cmpi slt, %add3A_60, %lt3A_61 : i32
      %convert_element_type3A_63 = arith.extui %lt3A_62 : i1 to i32
      %cond3A_64 = arith.constant 0 : i32
      %cond3A_65 = arith.cmpi ne, %convert_element_type3A_63, %cond3A_64 : i32
      scf.if %cond3A_65 {
        %add3A_114 = arith.constant 3 : i32
        %add3A_115 = arith.addi %mul3A_46, %add3A_114 : i32
        %mul3A_116 = arith.constant 128 : i32
        %mul3A_117 = arith.muli %add3A_115, %mul3A_116 : i32
        %add3A_118 = arith.addi %mul3A_4, %mul3A_117 : i32
        %dma_start3A_119 = tpu.memref_slice %arg3[%add3A_118] : memref<331776xi32, #tpu.memory_space<hbm>> -> memref<128xi32, #tpu.memory_space<hbm>>
        %dma_start3A_120 = tpu.memref_slice %arg3[%add3A_118] : memref<331776xi32, #tpu.memory_space<hbm>> -> memref<128xi32, #tpu.memory_space<hbm>>
        tpu.enqueue_dma source(%dma_start3A_120 : memref<128xi32, #tpu.memory_space<hbm>>) target(%arg7 : memref<128xi32, #tpu.memory_space<vmem>>) target_semaphore(%arg17 : memref<!tpu.dma_semaphore, #tpu.memory_space<semaphore_mem>>)
        %dma_start3A_121 = tpu.memref_slice %arg4[%add3A_118] : memref<331776xi32, #tpu.memory_space<hbm>> -> memref<128xi32, #tpu.memory_space<hbm>>
        %dma_start3A_122 = tpu.memref_slice %arg4[%add3A_118] : memref<331776xi32, #tpu.memory_space<hbm>> -> memref<128xi32, #tpu.memory_space<hbm>>
        tpu.enqueue_dma source(%dma_start3A_122 : memref<128xi32, #tpu.memory_space<hbm>>) target(%arg10 : memref<128xi32, #tpu.memory_space<vmem>>) target_semaphore(%arg20 : memref<!tpu.dma_semaphore, #tpu.memory_space<semaphore_mem>>)
      } else {
      }
      %add3A_66 = arith.constant 1 : i32
      %add3A_67 = arith.addi %mul3A_46, %add3A_66 : i32
      %dma_wait3A_68 = arith.constant 0 : i32
      %dma_wait3A_69 = arith.constant 0 : i32
      %dma_wait3A_70 = tpu.memref_slice %arg2[%dma_wait3A_68, %dma_wait3A_69] : memref<10112x128xf32, #tpu.memory_space<hbm>> -> memref<10112x128xf32, #tpu.memory_space<hbm>>
      tpu.wait_indirect_dma semaphore(%arg24 : memref<!tpu.dma_semaphore, #tpu.memory_space<semaphore_mem>>) src(%dma_wait3A_70 : memref<10112x128xf32, #tpu.memory_space<hbm>>) dst(%arg14 : memref<128x128xf32, #tpu.memory_space<vmem>>)
      %add3A_71 = arith.constant 2 : i32
      %add3A_72 = arith.addi %add3A_67, %add3A_71 : i32
      %lt3A_73 = arith.constant 81 : i32
      %lt3A_74 = arith.cmpi slt, %add3A_72, %lt3A_73 : i32
      %convert_element_type3A_75 = arith.extui %lt3A_74 : i1 to i32
      %cond3A_76 = arith.constant 0 : i32
      %cond3A_77 = arith.cmpi ne, %convert_element_type3A_75, %cond3A_76 : i32
      scf.if %cond3A_77 {
        %add3A_114 = arith.constant 2 : i32
        %add3A_115 = arith.addi %add3A_67, %add3A_114 : i32
        %mul3A_116 = arith.constant 128 : i32
        %mul3A_117 = arith.muli %add3A_115, %mul3A_116 : i32
        %add3A_118 = arith.addi %mul3A_4, %mul3A_117 : i32
        %dma_wait3A_119 = tpu.memref_slice %arg3[%add3A_118] : memref<331776xi32, #tpu.memory_space<hbm>> -> memref<128xi32, #tpu.memory_space<hbm>>
        %dma_wait3A_120 = tpu.memref_slice %arg3[%add3A_118] : memref<331776xi32, #tpu.memory_space<hbm>> -> memref<128xi32, #tpu.memory_space<hbm>>
        tpu.wait_dma2 semaphore(%arg17 : memref<!tpu.dma_semaphore, #tpu.memory_space<semaphore_mem>>) src(%dma_wait3A_120 : memref<128xi32, #tpu.memory_space<hbm>>) dst(%arg7 : memref<128xi32, #tpu.memory_space<vmem>>)
        %dma_start3A_121 = arith.constant 0 : i32
        %dma_start3A_122 = arith.constant 0 : i32
        %dma_start3A_123 = tpu.memref_slice %arg2[%dma_start3A_121, %dma_start3A_122] : memref<10112x128xf32, #tpu.memory_space<hbm>> -> memref<10112x128xf32, #tpu.memory_space<hbm>>
        tpu.enqueue_indirect_dma source(%dma_start3A_123 : memref<10112x128xf32, #tpu.memory_space<hbm>>) target(%arg13 : memref<128x128xf32, #tpu.memory_space<vmem>>) offsets(%arg7 : memref<128xi32, #tpu.memory_space<vmem>>) semaphore(%arg23 : memref<!tpu.dma_semaphore, #tpu.memory_space<semaphore_mem>>)
      } else {
      }
      %mul3A_78 = arith.constant 128 : i32
      %mul3A_79 = arith.muli %add3A_67, %mul3A_78 : i32
      %add3A_80 = arith.addi %mul3A_4, %mul3A_79 : i32
      %dma_wait3A_81 = tpu.memref_slice %arg4[%add3A_80] : memref<331776xi32, #tpu.memory_space<hbm>> -> memref<128xi32, #tpu.memory_space<hbm>>
      %dma_wait3A_82 = tpu.memref_slice %arg4[%add3A_80] : memref<331776xi32, #tpu.memory_space<hbm>> -> memref<128xi32, #tpu.memory_space<hbm>>
      tpu.wait_dma2 semaphore(%arg21 : memref<!tpu.dma_semaphore, #tpu.memory_space<semaphore_mem>>) src(%dma_wait3A_82 : memref<128xi32, #tpu.memory_space<hbm>>) dst(%arg11 : memref<128xi32, #tpu.memory_space<vmem>>)
      "tpu.region"() ({
        %run_scoped3A = tpu.sem_alloc : memref<!tpu.dma_semaphore, #tpu.memory_space<semaphore_mem>>
        %dma_start3A_114 = arith.constant 0 : i32
        %dma_start3A_115 = arith.constant 0 : i32
        %dma_start3A_116 = tpu.memref_slice %arg16[%dma_start3A_114, %dma_start3A_115] : memref<10112x128xf32, #tpu.memory_space<vmem_shared>> -> memref<10112x128xf32, #tpu.memory_space<vmem_shared>>
        tpu.enqueue_indirect_dma source(%arg14 : memref<128x128xf32, #tpu.memory_space<vmem>>) target(%dma_start3A_116 : memref<10112x128xf32, #tpu.memory_space<vmem_shared>>) offsets(%arg11 : memref<128xi32, #tpu.memory_space<vmem>>) semaphore(%run_scoped3A : memref<!tpu.dma_semaphore, #tpu.memory_space<semaphore_mem>>) {add = true}
        %dma_wait3A_117 = arith.constant 0 : i32
        %dma_wait3A_118 = arith.constant 0 : i32
        %dma_wait3A_119 = tpu.memref_slice %arg16[%dma_wait3A_117, %dma_wait3A_118] : memref<10112x128xf32, #tpu.memory_space<vmem_shared>> -> memref<10112x128xf32, #tpu.memory_space<vmem_shared>>
        tpu.wait_indirect_dma semaphore(%run_scoped3A : memref<!tpu.dma_semaphore, #tpu.memory_space<semaphore_mem>>) src(%arg14 : memref<128x128xf32, #tpu.memory_space<vmem>>) dst(%dma_wait3A_119 : memref<10112x128xf32, #tpu.memory_space<vmem_shared>>)
        tpu.yield
      }) : () -> ()
      %add3A_83 = arith.constant 3 : i32
      %add3A_84 = arith.addi %add3A_67, %add3A_83 : i32
      %lt3A_85 = arith.constant 81 : i32
      %lt3A_86 = arith.cmpi slt, %add3A_84, %lt3A_85 : i32
      %convert_element_type3A_87 = arith.extui %lt3A_86 : i1 to i32
      %cond3A_88 = arith.constant 0 : i32
      %cond3A_89 = arith.cmpi ne, %convert_element_type3A_87, %cond3A_88 : i32
      scf.if %cond3A_89 {
        %add3A_114 = arith.constant 3 : i32
        %add3A_115 = arith.addi %add3A_67, %add3A_114 : i32
        %mul3A_116 = arith.constant 128 : i32
        %mul3A_117 = arith.muli %add3A_115, %mul3A_116 : i32
        %add3A_118 = arith.addi %mul3A_4, %mul3A_117 : i32
        %dma_start3A_119 = tpu.memref_slice %arg3[%add3A_118] : memref<331776xi32, #tpu.memory_space<hbm>> -> memref<128xi32, #tpu.memory_space<hbm>>
        %dma_start3A_120 = tpu.memref_slice %arg3[%add3A_118] : memref<331776xi32, #tpu.memory_space<hbm>> -> memref<128xi32, #tpu.memory_space<hbm>>
        tpu.enqueue_dma source(%dma_start3A_120 : memref<128xi32, #tpu.memory_space<hbm>>) target(%arg8 : memref<128xi32, #tpu.memory_space<vmem>>) target_semaphore(%arg18 : memref<!tpu.dma_semaphore, #tpu.memory_space<semaphore_mem>>)
        %dma_start3A_121 = tpu.memref_slice %arg4[%add3A_118] : memref<331776xi32, #tpu.memory_space<hbm>> -> memref<128xi32, #tpu.memory_space<hbm>>
        %dma_start3A_122 = tpu.memref_slice %arg4[%add3A_118] : memref<331776xi32, #tpu.memory_space<hbm>> -> memref<128xi32, #tpu.memory_space<hbm>>
        tpu.enqueue_dma source(%dma_start3A_122 : memref<128xi32, #tpu.memory_space<hbm>>) target(%arg11 : memref<128xi32, #tpu.memory_space<vmem>>) target_semaphore(%arg21 : memref<!tpu.dma_semaphore, #tpu.memory_space<semaphore_mem>>)
      } else {
      }
      %add3A_90 = arith.constant 2 : i32
      %add3A_91 = arith.addi %mul3A_46, %add3A_90 : i32
      %dma_wait3A_92 = arith.constant 0 : i32
      %dma_wait3A_93 = arith.constant 0 : i32
      %dma_wait3A_94 = tpu.memref_slice %arg2[%dma_wait3A_92, %dma_wait3A_93] : memref<10112x128xf32, #tpu.memory_space<hbm>> -> memref<10112x128xf32, #tpu.memory_space<hbm>>
      tpu.wait_indirect_dma semaphore(%arg25 : memref<!tpu.dma_semaphore, #tpu.memory_space<semaphore_mem>>) src(%dma_wait3A_94 : memref<10112x128xf32, #tpu.memory_space<hbm>>) dst(%arg15 : memref<128x128xf32, #tpu.memory_space<vmem>>)
      %add3A_95 = arith.constant 2 : i32
      %add3A_96 = arith.addi %add3A_91, %add3A_95 : i32
      %lt3A_97 = arith.constant 81 : i32
      %lt3A_98 = arith.cmpi slt, %add3A_96, %lt3A_97 : i32
      %convert_element_type3A_99 = arith.extui %lt3A_98 : i1 to i32
      %cond3A_100 = arith.constant 0 : i32
      %cond3A_101 = arith.cmpi ne, %convert_element_type3A_99, %cond3A_100 : i32
      scf.if %cond3A_101 {
        %add3A_114 = arith.constant 2 : i32
        %add3A_115 = arith.addi %add3A_91, %add3A_114 : i32
        %mul3A_116 = arith.constant 128 : i32
        %mul3A_117 = arith.muli %add3A_115, %mul3A_116 : i32
        %add3A_118 = arith.addi %mul3A_4, %mul3A_117 : i32
        %dma_wait3A_119 = tpu.memref_slice %arg3[%add3A_118] : memref<331776xi32, #tpu.memory_space<hbm>> -> memref<128xi32, #tpu.memory_space<hbm>>
        %dma_wait3A_120 = tpu.memref_slice %arg3[%add3A_118] : memref<331776xi32, #tpu.memory_space<hbm>> -> memref<128xi32, #tpu.memory_space<hbm>>
        tpu.wait_dma2 semaphore(%arg18 : memref<!tpu.dma_semaphore, #tpu.memory_space<semaphore_mem>>) src(%dma_wait3A_120 : memref<128xi32, #tpu.memory_space<hbm>>) dst(%arg8 : memref<128xi32, #tpu.memory_space<vmem>>)
        %dma_start3A_121 = arith.constant 0 : i32
        %dma_start3A_122 = arith.constant 0 : i32
        %dma_start3A_123 = tpu.memref_slice %arg2[%dma_start3A_121, %dma_start3A_122] : memref<10112x128xf32, #tpu.memory_space<hbm>> -> memref<10112x128xf32, #tpu.memory_space<hbm>>
        tpu.enqueue_indirect_dma source(%dma_start3A_123 : memref<10112x128xf32, #tpu.memory_space<hbm>>) target(%arg14 : memref<128x128xf32, #tpu.memory_space<vmem>>) offsets(%arg8 : memref<128xi32, #tpu.memory_space<vmem>>) semaphore(%arg24 : memref<!tpu.dma_semaphore, #tpu.memory_space<semaphore_mem>>)
      } else {
      }
      %mul3A_102 = arith.constant 128 : i32
      %mul3A_103 = arith.muli %add3A_91, %mul3A_102 : i32
      %add3A_104 = arith.addi %mul3A_4, %mul3A_103 : i32
      %dma_wait3A_105 = tpu.memref_slice %arg4[%add3A_104] : memref<331776xi32, #tpu.memory_space<hbm>> -> memref<128xi32, #tpu.memory_space<hbm>>
      %dma_wait3A_106 = tpu.memref_slice %arg4[%add3A_104] : memref<331776xi32, #tpu.memory_space<hbm>> -> memref<128xi32, #tpu.memory_space<hbm>>
      tpu.wait_dma2 semaphore(%arg22 : memref<!tpu.dma_semaphore, #tpu.memory_space<semaphore_mem>>) src(%dma_wait3A_106 : memref<128xi32, #tpu.memory_space<hbm>>) dst(%arg12 : memref<128xi32, #tpu.memory_space<vmem>>)
      "tpu.region"() ({
        %run_scoped3A = tpu.sem_alloc : memref<!tpu.dma_semaphore, #tpu.memory_space<semaphore_mem>>
        %dma_start3A_114 = arith.constant 0 : i32
        %dma_start3A_115 = arith.constant 0 : i32
        %dma_start3A_116 = tpu.memref_slice %arg16[%dma_start3A_114, %dma_start3A_115] : memref<10112x128xf32, #tpu.memory_space<vmem_shared>> -> memref<10112x128xf32, #tpu.memory_space<vmem_shared>>
        tpu.enqueue_indirect_dma source(%arg15 : memref<128x128xf32, #tpu.memory_space<vmem>>) target(%dma_start3A_116 : memref<10112x128xf32, #tpu.memory_space<vmem_shared>>) offsets(%arg12 : memref<128xi32, #tpu.memory_space<vmem>>) semaphore(%run_scoped3A : memref<!tpu.dma_semaphore, #tpu.memory_space<semaphore_mem>>) {add = true}
        %dma_wait3A_117 = arith.constant 0 : i32
        %dma_wait3A_118 = arith.constant 0 : i32
        %dma_wait3A_119 = tpu.memref_slice %arg16[%dma_wait3A_117, %dma_wait3A_118] : memref<10112x128xf32, #tpu.memory_space<vmem_shared>> -> memref<10112x128xf32, #tpu.memory_space<vmem_shared>>
        tpu.wait_indirect_dma semaphore(%run_scoped3A : memref<!tpu.dma_semaphore, #tpu.memory_space<semaphore_mem>>) src(%arg15 : memref<128x128xf32, #tpu.memory_space<vmem>>) dst(%dma_wait3A_119 : memref<10112x128xf32, #tpu.memory_space<vmem_shared>>)
        tpu.yield
      }) : () -> ()
      %add3A_107 = arith.constant 3 : i32
      %add3A_108 = arith.addi %add3A_91, %add3A_107 : i32
      %lt3A_109 = arith.constant 81 : i32
      %lt3A_110 = arith.cmpi slt, %add3A_108, %lt3A_109 : i32
      %convert_element_type3A_111 = arith.extui %lt3A_110 : i1 to i32
      %cond3A_112 = arith.constant 0 : i32
      %cond3A_113 = arith.cmpi ne, %convert_element_type3A_111, %cond3A_112 : i32
      scf.if %cond3A_113 {
        %add3A_114 = arith.constant 3 : i32
        %add3A_115 = arith.addi %add3A_91, %add3A_114 : i32
        %mul3A_116 = arith.constant 128 : i32
        %mul3A_117 = arith.muli %add3A_115, %mul3A_116 : i32
        %add3A_118 = arith.addi %mul3A_4, %mul3A_117 : i32
        %dma_start3A_119 = tpu.memref_slice %arg3[%add3A_118] : memref<331776xi32, #tpu.memory_space<hbm>> -> memref<128xi32, #tpu.memory_space<hbm>>
        %dma_start3A_120 = tpu.memref_slice %arg3[%add3A_118] : memref<331776xi32, #tpu.memory_space<hbm>> -> memref<128xi32, #tpu.memory_space<hbm>>
        tpu.enqueue_dma source(%dma_start3A_120 : memref<128xi32, #tpu.memory_space<hbm>>) target(%arg9 : memref<128xi32, #tpu.memory_space<vmem>>) target_semaphore(%arg19 : memref<!tpu.dma_semaphore, #tpu.memory_space<semaphore_mem>>)
        %dma_start3A_121 = tpu.memref_slice %arg4[%add3A_118] : memref<331776xi32, #tpu.memory_space<hbm>> -> memref<128xi32, #tpu.memory_space<hbm>>
        %dma_start3A_122 = tpu.memref_slice %arg4[%add3A_118] : memref<331776xi32, #tpu.memory_space<hbm>> -> memref<128xi32, #tpu.memory_space<hbm>>
        tpu.enqueue_dma source(%dma_start3A_122 : memref<128xi32, #tpu.memory_space<hbm>>) target(%arg12 : memref<128xi32, #tpu.memory_space<vmem>>) target_semaphore(%arg22 : memref<!tpu.dma_semaphore, #tpu.memory_space<semaphore_mem>>)
      } else {
      }
    }
    %scan3A_38 = arith.constant 27 : i32
    %barrier3A_39 = arith.constant 0 : index
    tpu.barrier barrier_id(%barrier3A_39)
    "tpu.region"() ({
      %run_scoped3A = tpu.sem_alloc : memref<!tpu.dma_semaphore, #tpu.memory_space<semaphore_mem>>
      %dma_start3A_40 = arith.constant 0 : i32
      %dma_start3A_41 = tpu.memref_slice %arg6[%arg0, %mul3A_2, %dma_start3A_40] : memref<2x10112x128xf32, #tpu.memory_space<hbm>> -> memref<1x632x128xf32, #tpu.memory_space<hbm>>
      %dma_start3A_42 = tpu.memref_squeeze %dma_start3A_41 : memref<1x632x128xf32, #tpu.memory_space<hbm>> -> memref<632x128xf32, #tpu.memory_space<hbm>>
      %dma_start3A_43 = arith.constant 0 : i32
      %dma_start3A_44 = tpu.memref_slice %arg16[%mul3A_2, %dma_start3A_43] : memref<10112x128xf32, #tpu.memory_space<vmem_shared>> -> memref<632x128xf32, #tpu.memory_space<vmem_shared>>
      tpu.enqueue_dma source(%dma_start3A_44 : memref<632x128xf32, #tpu.memory_space<vmem_shared>>) target(%dma_start3A_42 : memref<632x128xf32, #tpu.memory_space<hbm>>) target_semaphore(%run_scoped3A : memref<!tpu.dma_semaphore, #tpu.memory_space<semaphore_mem>>)
      %dma_wait3A_45 = arith.constant 0 : i32
      %dma_wait3A_46 = tpu.memref_slice %arg6[%arg0, %mul3A_2, %dma_wait3A_45] : memref<2x10112x128xf32, #tpu.memory_space<hbm>> -> memref<1x632x128xf32, #tpu.memory_space<hbm>>
      %dma_wait3A_47 = tpu.memref_squeeze %dma_wait3A_46 : memref<1x632x128xf32, #tpu.memory_space<hbm>> -> memref<632x128xf32, #tpu.memory_space<hbm>>
      %dma_wait3A_48 = arith.constant 0 : i32
      %dma_wait3A_49 = tpu.memref_slice %arg16[%mul3A_2, %dma_wait3A_48] : memref<10112x128xf32, #tpu.memory_space<vmem_shared>> -> memref<632x128xf32, #tpu.memory_space<vmem_shared>>
      tpu.wait_dma2 semaphore(%run_scoped3A : memref<!tpu.dma_semaphore, #tpu.memory_space<semaphore_mem>>) src(%dma_wait3A_49 : memref<632x128xf32, #tpu.memory_space<vmem_shared>>) dst(%dma_wait3A_47 : memref<632x128xf32, #tpu.memory_space<hbm>>)
      tpu.yield
    }) : () -> ()
    return
  }
}

#map = affine_map<(d0, d1) -> (0)>
#map1 = affine_map<(d0, d1) -> (0, 0)>
#map2 = affine_map<(d0, d1) -> (0, 0, 0)>
module attributes {stable_mosaic.version = 14 : i64} {
  func.func @_deg_pass(%arg0: i32, %arg1: i32, %arg2: memref<331776xi32, #tpu.memory_space<hbm>>, %arg3: memref<128x128xf32, #tpu.memory_space<hbm>>, %arg4: memref<10112x128xf32, #tpu.memory_space<hbm>>, %arg5: memref<2x10112x128xf32, #tpu.memory_space<hbm>>, %arg6: memref<128xi32, #tpu.memory_space<vmem>>, %arg7: memref<128xi32, #tpu.memory_space<vmem>>, %arg8: memref<128xi32, #tpu.memory_space<vmem>>, %arg9: memref<128xi32, #tpu.memory_space<vmem>>, %arg10: memref<128xi32, #tpu.memory_space<vmem>>, %arg11: memref<128xi32, #tpu.memory_space<vmem>>, %arg12: memref<128xi32, #tpu.memory_space<vmem>>, %arg13: memref<128xi32, #tpu.memory_space<vmem>>, %arg14: memref<128xi32, #tpu.memory_space<vmem>>, %arg15: memref<128x128xf32, #tpu.memory_space<vmem>>, %arg16: memref<10112x128xf32, #tpu.memory_space<vmem_shared>>, %arg17: memref<!tpu.dma_semaphore, #tpu.memory_space<semaphore_mem>>, %arg18: memref<!tpu.dma_semaphore, #tpu.memory_space<semaphore_mem>>) attributes {dimension_semantics = [#tpu.dimension_semantics<core_parallel>, #tpu.dimension_semantics<subcore_parallel>], iteration_bounds = array<i64: 2, 16>, scalar_prefetch = 0 : i64, scratch_operands = 13 : i64, tpu.core_type = #tpu.core_type<sc_vector_subcore>, window_params = [{transform_indices = #map}, {transform_indices = #map1}, {transform_indices = #map1}, {transform_indices = #map2}]} {
    %mul3A = arith.constant 16 : i32
    %mul3A_0 = arith.muli %arg0, %mul3A : i32
    %add3A = arith.addi %mul3A_0, %arg1 : i32
    %mul3A_1 = arith.constant 632 : i32
    %mul3A_2 = arith.muli %arg1, %mul3A_1 : i32
    "tpu.region"() ({
      %run_scoped3A = tpu.sem_alloc : memref<!tpu.dma_semaphore, #tpu.memory_space<semaphore_mem>>
      %dma_start3A = arith.constant 0 : i32
      %dma_start3A_10 = tpu.memref_slice %arg16[%mul3A_2, %dma_start3A] : memref<10112x128xf32, #tpu.memory_space<vmem_shared>> -> memref<632x128xf32, #tpu.memory_space<vmem_shared>>
      %dma_start3A_11 = arith.constant 0 : i32
      %dma_start3A_12 = tpu.memref_slice %arg4[%mul3A_2, %dma_start3A_11] : memref<10112x128xf32, #tpu.memory_space<hbm>> -> memref<632x128xf32, #tpu.memory_space<hbm>>
      tpu.enqueue_dma source(%dma_start3A_12 : memref<632x128xf32, #tpu.memory_space<hbm>>) target(%dma_start3A_10 : memref<632x128xf32, #tpu.memory_space<vmem_shared>>) target_semaphore(%run_scoped3A : memref<!tpu.dma_semaphore, #tpu.memory_space<semaphore_mem>>)
      %dma_wait3A = arith.constant 0 : i32
      %dma_wait3A_13 = tpu.memref_slice %arg16[%mul3A_2, %dma_wait3A] : memref<10112x128xf32, #tpu.memory_space<vmem_shared>> -> memref<632x128xf32, #tpu.memory_space<vmem_shared>>
      %dma_wait3A_14 = arith.constant 0 : i32
      %dma_wait3A_15 = tpu.memref_slice %arg4[%mul3A_2, %dma_wait3A_14] : memref<10112x128xf32, #tpu.memory_space<hbm>> -> memref<632x128xf32, #tpu.memory_space<hbm>>
      tpu.wait_dma2 semaphore(%run_scoped3A : memref<!tpu.dma_semaphore, #tpu.memory_space<semaphore_mem>>) src(%dma_wait3A_15 : memref<632x128xf32, #tpu.memory_space<hbm>>) dst(%dma_wait3A_13 : memref<632x128xf32, #tpu.memory_space<vmem_shared>>)
      tpu.yield
    }) : () -> ()
    "tpu.region"() ({
      %run_scoped3A = tpu.sem_alloc : memref<!tpu.dma_semaphore, #tpu.memory_space<semaphore_mem>>
      tpu.enqueue_dma source(%arg3 : memref<128x128xf32, #tpu.memory_space<hbm>>) target(%arg15 : memref<128x128xf32, #tpu.memory_space<vmem>>) target_semaphore(%run_scoped3A : memref<!tpu.dma_semaphore, #tpu.memory_space<semaphore_mem>>)
      tpu.wait_dma2 semaphore(%run_scoped3A : memref<!tpu.dma_semaphore, #tpu.memory_space<semaphore_mem>>) src(%arg3 : memref<128x128xf32, #tpu.memory_space<hbm>>) dst(%arg15 : memref<128x128xf32, #tpu.memory_space<vmem>>)
      tpu.yield
    }) : () -> ()
    %barrier3A = arith.constant 0 : index
    tpu.barrier barrier_id(%barrier3A)
    %mul3A_3 = arith.constant 10368 : i32
    %mul3A_4 = arith.muli %add3A, %mul3A_3 : i32
    %scan3A = arith.constant 0 : i32
    %scan3A_5 = arith.constant 9 : i32
    %scan3A_6 = arith.addi %scan3A, %scan3A_5 : i32
    %scan3A_7 = arith.constant 1 : i32
    scf.for %scan3A_10 = %scan3A to %scan3A_6 step %scan3A_7  : i32 {
      %mul3A_11 = arith.constant 1 : i32
      %mul3A_12 = arith.muli %scan3A_10, %mul3A_11 : i32
      %add3A_13 = arith.constant 0 : i32
      %add3A_14 = arith.addi %add3A_13, %mul3A_12 : i32
      %mul3A_15 = arith.constant 1152 : i32
      %mul3A_16 = arith.muli %add3A_14, %mul3A_15 : i32
      %add3A_17 = arith.addi %mul3A_4, %mul3A_16 : i32
      %add3A_18 = arith.constant 0 : i32
      %add3A_19 = arith.addi %add3A_17, %add3A_18 : i32
      %dma_start3A = tpu.memref_slice %arg2[%add3A_19] : memref<331776xi32, #tpu.memory_space<hbm>> -> memref<128xi32, #tpu.memory_space<hbm>>
      %dma_start3A_20 = tpu.memref_slice %arg2[%add3A_19] : memref<331776xi32, #tpu.memory_space<hbm>> -> memref<128xi32, #tpu.memory_space<hbm>>
      tpu.enqueue_dma source(%dma_start3A_20 : memref<128xi32, #tpu.memory_space<hbm>>) target(%arg6 : memref<128xi32, #tpu.memory_space<vmem>>) target_semaphore(%arg17 : memref<!tpu.dma_semaphore, #tpu.memory_space<semaphore_mem>>)
      %add3A_21 = arith.constant 128 : i32
      %add3A_22 = arith.addi %add3A_17, %add3A_21 : i32
      %dma_start3A_23 = tpu.memref_slice %arg2[%add3A_22] : memref<331776xi32, #tpu.memory_space<hbm>> -> memref<128xi32, #tpu.memory_space<hbm>>
      %dma_start3A_24 = tpu.memref_slice %arg2[%add3A_22] : memref<331776xi32, #tpu.memory_space<hbm>> -> memref<128xi32, #tpu.memory_space<hbm>>
      tpu.enqueue_dma source(%dma_start3A_24 : memref<128xi32, #tpu.memory_space<hbm>>) target(%arg7 : memref<128xi32, #tpu.memory_space<vmem>>) target_semaphore(%arg17 : memref<!tpu.dma_semaphore, #tpu.memory_space<semaphore_mem>>)
      %add3A_25 = arith.constant 256 : i32
      %add3A_26 = arith.addi %add3A_17, %add3A_25 : i32
      %dma_start3A_27 = tpu.memref_slice %arg2[%add3A_26] : memref<331776xi32, #tpu.memory_space<hbm>> -> memref<128xi32, #tpu.memory_space<hbm>>
      %dma_start3A_28 = tpu.memref_slice %arg2[%add3A_26] : memref<331776xi32, #tpu.memory_space<hbm>> -> memref<128xi32, #tpu.memory_space<hbm>>
      tpu.enqueue_dma source(%dma_start3A_28 : memref<128xi32, #tpu.memory_space<hbm>>) target(%arg8 : memref<128xi32, #tpu.memory_space<vmem>>) target_semaphore(%arg17 : memref<!tpu.dma_semaphore, #tpu.memory_space<semaphore_mem>>)
      %add3A_29 = arith.constant 384 : i32
      %add3A_30 = arith.addi %add3A_17, %add3A_29 : i32
      %dma_start3A_31 = tpu.memref_slice %arg2[%add3A_30] : memref<331776xi32, #tpu.memory_space<hbm>> -> memref<128xi32, #tpu.memory_space<hbm>>
      %dma_start3A_32 = tpu.memref_slice %arg2[%add3A_30] : memref<331776xi32, #tpu.memory_space<hbm>> -> memref<128xi32, #tpu.memory_space<hbm>>
      tpu.enqueue_dma source(%dma_start3A_32 : memref<128xi32, #tpu.memory_space<hbm>>) target(%arg9 : memref<128xi32, #tpu.memory_space<vmem>>) target_semaphore(%arg17 : memref<!tpu.dma_semaphore, #tpu.memory_space<semaphore_mem>>)
      %add3A_33 = arith.constant 512 : i32
      %add3A_34 = arith.addi %add3A_17, %add3A_33 : i32
      %dma_start3A_35 = tpu.memref_slice %arg2[%add3A_34] : memref<331776xi32, #tpu.memory_space<hbm>> -> memref<128xi32, #tpu.memory_space<hbm>>
      %dma_start3A_36 = tpu.memref_slice %arg2[%add3A_34] : memref<331776xi32, #tpu.memory_space<hbm>> -> memref<128xi32, #tpu.memory_space<hbm>>
      tpu.enqueue_dma source(%dma_start3A_36 : memref<128xi32, #tpu.memory_space<hbm>>) target(%arg10 : memref<128xi32, #tpu.memory_space<vmem>>) target_semaphore(%arg17 : memref<!tpu.dma_semaphore, #tpu.memory_space<semaphore_mem>>)
      %add3A_37 = arith.constant 640 : i32
      %add3A_38 = arith.addi %add3A_17, %add3A_37 : i32
      %dma_start3A_39 = tpu.memref_slice %arg2[%add3A_38] : memref<331776xi32, #tpu.memory_space<hbm>> -> memref<128xi32, #tpu.memory_space<hbm>>
      %dma_start3A_40 = tpu.memref_slice %arg2[%add3A_38] : memref<331776xi32, #tpu.memory_space<hbm>> -> memref<128xi32, #tpu.memory_space<hbm>>
      tpu.enqueue_dma source(%dma_start3A_40 : memref<128xi32, #tpu.memory_space<hbm>>) target(%arg11 : memref<128xi32, #tpu.memory_space<vmem>>) target_semaphore(%arg17 : memref<!tpu.dma_semaphore, #tpu.memory_space<semaphore_mem>>)
      %add3A_41 = arith.constant 768 : i32
      %add3A_42 = arith.addi %add3A_17, %add3A_41 : i32
      %dma_start3A_43 = tpu.memref_slice %arg2[%add3A_42] : memref<331776xi32, #tpu.memory_space<hbm>> -> memref<128xi32, #tpu.memory_space<hbm>>
      %dma_start3A_44 = tpu.memref_slice %arg2[%add3A_42] : memref<331776xi32, #tpu.memory_space<hbm>> -> memref<128xi32, #tpu.memory_space<hbm>>
      tpu.enqueue_dma source(%dma_start3A_44 : memref<128xi32, #tpu.memory_space<hbm>>) target(%arg12 : memref<128xi32, #tpu.memory_space<vmem>>) target_semaphore(%arg17 : memref<!tpu.dma_semaphore, #tpu.memory_space<semaphore_mem>>)
      %add3A_45 = arith.constant 896 : i32
      %add3A_46 = arith.addi %add3A_17, %add3A_45 : i32
      %dma_start3A_47 = tpu.memref_slice %arg2[%add3A_46] : memref<331776xi32, #tpu.memory_space<hbm>> -> memref<128xi32, #tpu.memory_space<hbm>>
      %dma_start3A_48 = tpu.memref_slice %arg2[%add3A_46] : memref<331776xi32, #tpu.memory_space<hbm>> -> memref<128xi32, #tpu.memory_space<hbm>>
      tpu.enqueue_dma source(%dma_start3A_48 : memref<128xi32, #tpu.memory_space<hbm>>) target(%arg13 : memref<128xi32, #tpu.memory_space<vmem>>) target_semaphore(%arg17 : memref<!tpu.dma_semaphore, #tpu.memory_space<semaphore_mem>>)
      %add3A_49 = arith.constant 1024 : i32
      %add3A_50 = arith.addi %add3A_17, %add3A_49 : i32
      %dma_start3A_51 = tpu.memref_slice %arg2[%add3A_50] : memref<331776xi32, #tpu.memory_space<hbm>> -> memref<128xi32, #tpu.memory_space<hbm>>
      %dma_start3A_52 = tpu.memref_slice %arg2[%add3A_50] : memref<331776xi32, #tpu.memory_space<hbm>> -> memref<128xi32, #tpu.memory_space<hbm>>
      tpu.enqueue_dma source(%dma_start3A_52 : memref<128xi32, #tpu.memory_space<hbm>>) target(%arg14 : memref<128xi32, #tpu.memory_space<vmem>>) target_semaphore(%arg17 : memref<!tpu.dma_semaphore, #tpu.memory_space<semaphore_mem>>)
      %dma_wait3A = tpu.memref_slice %arg2[%add3A_19] : memref<331776xi32, #tpu.memory_space<hbm>> -> memref<128xi32, #tpu.memory_space<hbm>>
      %dma_wait3A_53 = tpu.memref_slice %arg2[%add3A_19] : memref<331776xi32, #tpu.memory_space<hbm>> -> memref<128xi32, #tpu.memory_space<hbm>>
      tpu.wait_dma2 semaphore(%arg17 : memref<!tpu.dma_semaphore, #tpu.memory_space<semaphore_mem>>) src(%dma_wait3A_53 : memref<128xi32, #tpu.memory_space<hbm>>) dst(%arg6 : memref<128xi32, #tpu.memory_space<vmem>>)
      %dma_start3A_54 = arith.constant 0 : i32
      %dma_start3A_55 = arith.constant 0 : i32
      %dma_start3A_56 = tpu.memref_slice %arg16[%dma_start3A_54, %dma_start3A_55] : memref<10112x128xf32, #tpu.memory_space<vmem_shared>> -> memref<10112x128xf32, #tpu.memory_space<vmem_shared>>
      tpu.enqueue_indirect_dma source(%arg15 : memref<128x128xf32, #tpu.memory_space<vmem>>) target(%dma_start3A_56 : memref<10112x128xf32, #tpu.memory_space<vmem_shared>>) offsets(%arg6 : memref<128xi32, #tpu.memory_space<vmem>>) semaphore(%arg18 : memref<!tpu.dma_semaphore, #tpu.memory_space<semaphore_mem>>) {add = true}
      %dma_wait3A_57 = tpu.memref_slice %arg2[%add3A_22] : memref<331776xi32, #tpu.memory_space<hbm>> -> memref<128xi32, #tpu.memory_space<hbm>>
      %dma_wait3A_58 = tpu.memref_slice %arg2[%add3A_22] : memref<331776xi32, #tpu.memory_space<hbm>> -> memref<128xi32, #tpu.memory_space<hbm>>
      tpu.wait_dma2 semaphore(%arg17 : memref<!tpu.dma_semaphore, #tpu.memory_space<semaphore_mem>>) src(%dma_wait3A_58 : memref<128xi32, #tpu.memory_space<hbm>>) dst(%arg7 : memref<128xi32, #tpu.memory_space<vmem>>)
      %dma_start3A_59 = arith.constant 0 : i32
      %dma_start3A_60 = arith.constant 0 : i32
      %dma_start3A_61 = tpu.memref_slice %arg16[%dma_start3A_59, %dma_start3A_60] : memref<10112x128xf32, #tpu.memory_space<vmem_shared>> -> memref<10112x128xf32, #tpu.memory_space<vmem_shared>>
      tpu.enqueue_indirect_dma source(%arg15 : memref<128x128xf32, #tpu.memory_space<vmem>>) target(%dma_start3A_61 : memref<10112x128xf32, #tpu.memory_space<vmem_shared>>) offsets(%arg7 : memref<128xi32, #tpu.memory_space<vmem>>) semaphore(%arg18 : memref<!tpu.dma_semaphore, #tpu.memory_space<semaphore_mem>>) {add = true}
      %dma_wait3A_62 = tpu.memref_slice %arg2[%add3A_26] : memref<331776xi32, #tpu.memory_space<hbm>> -> memref<128xi32, #tpu.memory_space<hbm>>
      %dma_wait3A_63 = tpu.memref_slice %arg2[%add3A_26] : memref<331776xi32, #tpu.memory_space<hbm>> -> memref<128xi32, #tpu.memory_space<hbm>>
      tpu.wait_dma2 semaphore(%arg17 : memref<!tpu.dma_semaphore, #tpu.memory_space<semaphore_mem>>) src(%dma_wait3A_63 : memref<128xi32, #tpu.memory_space<hbm>>) dst(%arg8 : memref<128xi32, #tpu.memory_space<vmem>>)
      %dma_start3A_64 = arith.constant 0 : i32
      %dma_start3A_65 = arith.constant 0 : i32
      %dma_start3A_66 = tpu.memref_slice %arg16[%dma_start3A_64, %dma_start3A_65] : memref<10112x128xf32, #tpu.memory_space<vmem_shared>> -> memref<10112x128xf32, #tpu.memory_space<vmem_shared>>
      tpu.enqueue_indirect_dma source(%arg15 : memref<128x128xf32, #tpu.memory_space<vmem>>) target(%dma_start3A_66 : memref<10112x128xf32, #tpu.memory_space<vmem_shared>>) offsets(%arg8 : memref<128xi32, #tpu.memory_space<vmem>>) semaphore(%arg18 : memref<!tpu.dma_semaphore, #tpu.memory_space<semaphore_mem>>) {add = true}
      %dma_wait3A_67 = tpu.memref_slice %arg2[%add3A_30] : memref<331776xi32, #tpu.memory_space<hbm>> -> memref<128xi32, #tpu.memory_space<hbm>>
      %dma_wait3A_68 = tpu.memref_slice %arg2[%add3A_30] : memref<331776xi32, #tpu.memory_space<hbm>> -> memref<128xi32, #tpu.memory_space<hbm>>
      tpu.wait_dma2 semaphore(%arg17 : memref<!tpu.dma_semaphore, #tpu.memory_space<semaphore_mem>>) src(%dma_wait3A_68 : memref<128xi32, #tpu.memory_space<hbm>>) dst(%arg9 : memref<128xi32, #tpu.memory_space<vmem>>)
      %dma_start3A_69 = arith.constant 0 : i32
      %dma_start3A_70 = arith.constant 0 : i32
      %dma_start3A_71 = tpu.memref_slice %arg16[%dma_start3A_69, %dma_start3A_70] : memref<10112x128xf32, #tpu.memory_space<vmem_shared>> -> memref<10112x128xf32, #tpu.memory_space<vmem_shared>>
      tpu.enqueue_indirect_dma source(%arg15 : memref<128x128xf32, #tpu.memory_space<vmem>>) target(%dma_start3A_71 : memref<10112x128xf32, #tpu.memory_space<vmem_shared>>) offsets(%arg9 : memref<128xi32, #tpu.memory_space<vmem>>) semaphore(%arg18 : memref<!tpu.dma_semaphore, #tpu.memory_space<semaphore_mem>>) {add = true}
      %dma_wait3A_72 = tpu.memref_slice %arg2[%add3A_34] : memref<331776xi32, #tpu.memory_space<hbm>> -> memref<128xi32, #tpu.memory_space<hbm>>
      %dma_wait3A_73 = tpu.memref_slice %arg2[%add3A_34] : memref<331776xi32, #tpu.memory_space<hbm>> -> memref<128xi32, #tpu.memory_space<hbm>>
      tpu.wait_dma2 semaphore(%arg17 : memref<!tpu.dma_semaphore, #tpu.memory_space<semaphore_mem>>) src(%dma_wait3A_73 : memref<128xi32, #tpu.memory_space<hbm>>) dst(%arg10 : memref<128xi32, #tpu.memory_space<vmem>>)
      %dma_start3A_74 = arith.constant 0 : i32
      %dma_start3A_75 = arith.constant 0 : i32
      %dma_start3A_76 = tpu.memref_slice %arg16[%dma_start3A_74, %dma_start3A_75] : memref<10112x128xf32, #tpu.memory_space<vmem_shared>> -> memref<10112x128xf32, #tpu.memory_space<vmem_shared>>
      tpu.enqueue_indirect_dma source(%arg15 : memref<128x128xf32, #tpu.memory_space<vmem>>) target(%dma_start3A_76 : memref<10112x128xf32, #tpu.memory_space<vmem_shared>>) offsets(%arg10 : memref<128xi32, #tpu.memory_space<vmem>>) semaphore(%arg18 : memref<!tpu.dma_semaphore, #tpu.memory_space<semaphore_mem>>) {add = true}
      %dma_wait3A_77 = tpu.memref_slice %arg2[%add3A_38] : memref<331776xi32, #tpu.memory_space<hbm>> -> memref<128xi32, #tpu.memory_space<hbm>>
      %dma_wait3A_78 = tpu.memref_slice %arg2[%add3A_38] : memref<331776xi32, #tpu.memory_space<hbm>> -> memref<128xi32, #tpu.memory_space<hbm>>
      tpu.wait_dma2 semaphore(%arg17 : memref<!tpu.dma_semaphore, #tpu.memory_space<semaphore_mem>>) src(%dma_wait3A_78 : memref<128xi32, #tpu.memory_space<hbm>>) dst(%arg11 : memref<128xi32, #tpu.memory_space<vmem>>)
      %dma_start3A_79 = arith.constant 0 : i32
      %dma_start3A_80 = arith.constant 0 : i32
      %dma_start3A_81 = tpu.memref_slice %arg16[%dma_start3A_79, %dma_start3A_80] : memref<10112x128xf32, #tpu.memory_space<vmem_shared>> -> memref<10112x128xf32, #tpu.memory_space<vmem_shared>>
      tpu.enqueue_indirect_dma source(%arg15 : memref<128x128xf32, #tpu.memory_space<vmem>>) target(%dma_start3A_81 : memref<10112x128xf32, #tpu.memory_space<vmem_shared>>) offsets(%arg11 : memref<128xi32, #tpu.memory_space<vmem>>) semaphore(%arg18 : memref<!tpu.dma_semaphore, #tpu.memory_space<semaphore_mem>>) {add = true}
      %dma_wait3A_82 = tpu.memref_slice %arg2[%add3A_42] : memref<331776xi32, #tpu.memory_space<hbm>> -> memref<128xi32, #tpu.memory_space<hbm>>
      %dma_wait3A_83 = tpu.memref_slice %arg2[%add3A_42] : memref<331776xi32, #tpu.memory_space<hbm>> -> memref<128xi32, #tpu.memory_space<hbm>>
      tpu.wait_dma2 semaphore(%arg17 : memref<!tpu.dma_semaphore, #tpu.memory_space<semaphore_mem>>) src(%dma_wait3A_83 : memref<128xi32, #tpu.memory_space<hbm>>) dst(%arg12 : memref<128xi32, #tpu.memory_space<vmem>>)
      %dma_start3A_84 = arith.constant 0 : i32
      %dma_start3A_85 = arith.constant 0 : i32
      %dma_start3A_86 = tpu.memref_slice %arg16[%dma_start3A_84, %dma_start3A_85] : memref<10112x128xf32, #tpu.memory_space<vmem_shared>> -> memref<10112x128xf32, #tpu.memory_space<vmem_shared>>
      tpu.enqueue_indirect_dma source(%arg15 : memref<128x128xf32, #tpu.memory_space<vmem>>) target(%dma_start3A_86 : memref<10112x128xf32, #tpu.memory_space<vmem_shared>>) offsets(%arg12 : memref<128xi32, #tpu.memory_space<vmem>>) semaphore(%arg18 : memref<!tpu.dma_semaphore, #tpu.memory_space<semaphore_mem>>) {add = true}
      %dma_wait3A_87 = tpu.memref_slice %arg2[%add3A_46] : memref<331776xi32, #tpu.memory_space<hbm>> -> memref<128xi32, #tpu.memory_space<hbm>>
      %dma_wait3A_88 = tpu.memref_slice %arg2[%add3A_46] : memref<331776xi32, #tpu.memory_space<hbm>> -> memref<128xi32, #tpu.memory_space<hbm>>
      tpu.wait_dma2 semaphore(%arg17 : memref<!tpu.dma_semaphore, #tpu.memory_space<semaphore_mem>>) src(%dma_wait3A_88 : memref<128xi32, #tpu.memory_space<hbm>>) dst(%arg13 : memref<128xi32, #tpu.memory_space<vmem>>)
      %dma_start3A_89 = arith.constant 0 : i32
      %dma_start3A_90 = arith.constant 0 : i32
      %dma_start3A_91 = tpu.memref_slice %arg16[%dma_start3A_89, %dma_start3A_90] : memref<10112x128xf32, #tpu.memory_space<vmem_shared>> -> memref<10112x128xf32, #tpu.memory_space<vmem_shared>>
      tpu.enqueue_indirect_dma source(%arg15 : memref<128x128xf32, #tpu.memory_space<vmem>>) target(%dma_start3A_91 : memref<10112x128xf32, #tpu.memory_space<vmem_shared>>) offsets(%arg13 : memref<128xi32, #tpu.memory_space<vmem>>) semaphore(%arg18 : memref<!tpu.dma_semaphore, #tpu.memory_space<semaphore_mem>>) {add = true}
      %dma_wait3A_92 = tpu.memref_slice %arg2[%add3A_50] : memref<331776xi32, #tpu.memory_space<hbm>> -> memref<128xi32, #tpu.memory_space<hbm>>
      %dma_wait3A_93 = tpu.memref_slice %arg2[%add3A_50] : memref<331776xi32, #tpu.memory_space<hbm>> -> memref<128xi32, #tpu.memory_space<hbm>>
      tpu.wait_dma2 semaphore(%arg17 : memref<!tpu.dma_semaphore, #tpu.memory_space<semaphore_mem>>) src(%dma_wait3A_93 : memref<128xi32, #tpu.memory_space<hbm>>) dst(%arg14 : memref<128xi32, #tpu.memory_space<vmem>>)
      %dma_start3A_94 = arith.constant 0 : i32
      %dma_start3A_95 = arith.constant 0 : i32
      %dma_start3A_96 = tpu.memref_slice %arg16[%dma_start3A_94, %dma_start3A_95] : memref<10112x128xf32, #tpu.memory_space<vmem_shared>> -> memref<10112x128xf32, #tpu.memory_space<vmem_shared>>
      tpu.enqueue_indirect_dma source(%arg15 : memref<128x128xf32, #tpu.memory_space<vmem>>) target(%dma_start3A_96 : memref<10112x128xf32, #tpu.memory_space<vmem_shared>>) offsets(%arg14 : memref<128xi32, #tpu.memory_space<vmem>>) semaphore(%arg18 : memref<!tpu.dma_semaphore, #tpu.memory_space<semaphore_mem>>) {add = true}
      %dma_wait3A_97 = arith.constant 0 : i32
      %dma_wait3A_98 = arith.constant 0 : i32
      %dma_wait3A_99 = tpu.memref_slice %arg16[%dma_wait3A_97, %dma_wait3A_98] : memref<10112x128xf32, #tpu.memory_space<vmem_shared>> -> memref<10112x128xf32, #tpu.memory_space<vmem_shared>>
      tpu.wait_indirect_dma semaphore(%arg18 : memref<!tpu.dma_semaphore, #tpu.memory_space<semaphore_mem>>) src(%arg15 : memref<128x128xf32, #tpu.memory_space<vmem>>) dst(%dma_wait3A_99 : memref<10112x128xf32, #tpu.memory_space<vmem_shared>>)
      %dma_wait3A_100 = arith.constant 0 : i32
      %dma_wait3A_101 = arith.constant 0 : i32
      %dma_wait3A_102 = tpu.memref_slice %arg16[%dma_wait3A_100, %dma_wait3A_101] : memref<10112x128xf32, #tpu.memory_space<vmem_shared>> -> memref<10112x128xf32, #tpu.memory_space<vmem_shared>>
      tpu.wait_indirect_dma semaphore(%arg18 : memref<!tpu.dma_semaphore, #tpu.memory_space<semaphore_mem>>) src(%arg15 : memref<128x128xf32, #tpu.memory_space<vmem>>) dst(%dma_wait3A_102 : memref<10112x128xf32, #tpu.memory_space<vmem_shared>>)
      %dma_wait3A_103 = arith.constant 0 : i32
      %dma_wait3A_104 = arith.constant 0 : i32
      %dma_wait3A_105 = tpu.memref_slice %arg16[%dma_wait3A_103, %dma_wait3A_104] : memref<10112x128xf32, #tpu.memory_space<vmem_shared>> -> memref<10112x128xf32, #tpu.memory_space<vmem_shared>>
      tpu.wait_indirect_dma semaphore(%arg18 : memref<!tpu.dma_semaphore, #tpu.memory_space<semaphore_mem>>) src(%arg15 : memref<128x128xf32, #tpu.memory_space<vmem>>) dst(%dma_wait3A_105 : memref<10112x128xf32, #tpu.memory_space<vmem_shared>>)
      %dma_wait3A_106 = arith.constant 0 : i32
      %dma_wait3A_107 = arith.constant 0 : i32
      %dma_wait3A_108 = tpu.memref_slice %arg16[%dma_wait3A_106, %dma_wait3A_107] : memref<10112x128xf32, #tpu.memory_space<vmem_shared>> -> memref<10112x128xf32, #tpu.memory_space<vmem_shared>>
      tpu.wait_indirect_dma semaphore(%arg18 : memref<!tpu.dma_semaphore, #tpu.memory_space<semaphore_mem>>) src(%arg15 : memref<128x128xf32, #tpu.memory_space<vmem>>) dst(%dma_wait3A_108 : memref<10112x128xf32, #tpu.memory_space<vmem_shared>>)
      %dma_wait3A_109 = arith.constant 0 : i32
      %dma_wait3A_110 = arith.constant 0 : i32
      %dma_wait3A_111 = tpu.memref_slice %arg16[%dma_wait3A_109, %dma_wait3A_110] : memref<10112x128xf32, #tpu.memory_space<vmem_shared>> -> memref<10112x128xf32, #tpu.memory_space<vmem_shared>>
      tpu.wait_indirect_dma semaphore(%arg18 : memref<!tpu.dma_semaphore, #tpu.memory_space<semaphore_mem>>) src(%arg15 : memref<128x128xf32, #tpu.memory_space<vmem>>) dst(%dma_wait3A_111 : memref<10112x128xf32, #tpu.memory_space<vmem_shared>>)
      %dma_wait3A_112 = arith.constant 0 : i32
      %dma_wait3A_113 = arith.constant 0 : i32
      %dma_wait3A_114 = tpu.memref_slice %arg16[%dma_wait3A_112, %dma_wait3A_113] : memref<10112x128xf32, #tpu.memory_space<vmem_shared>> -> memref<10112x128xf32, #tpu.memory_space<vmem_shared>>
      tpu.wait_indirect_dma semaphore(%arg18 : memref<!tpu.dma_semaphore, #tpu.memory_space<semaphore_mem>>) src(%arg15 : memref<128x128xf32, #tpu.memory_space<vmem>>) dst(%dma_wait3A_114 : memref<10112x128xf32, #tpu.memory_space<vmem_shared>>)
      %dma_wait3A_115 = arith.constant 0 : i32
      %dma_wait3A_116 = arith.constant 0 : i32
      %dma_wait3A_117 = tpu.memref_slice %arg16[%dma_wait3A_115, %dma_wait3A_116] : memref<10112x128xf32, #tpu.memory_space<vmem_shared>> -> memref<10112x128xf32, #tpu.memory_space<vmem_shared>>
      tpu.wait_indirect_dma semaphore(%arg18 : memref<!tpu.dma_semaphore, #tpu.memory_space<semaphore_mem>>) src(%arg15 : memref<128x128xf32, #tpu.memory_space<vmem>>) dst(%dma_wait3A_117 : memref<10112x128xf32, #tpu.memory_space<vmem_shared>>)
      %dma_wait3A_118 = arith.constant 0 : i32
      %dma_wait3A_119 = arith.constant 0 : i32
      %dma_wait3A_120 = tpu.memref_slice %arg16[%dma_wait3A_118, %dma_wait3A_119] : memref<10112x128xf32, #tpu.memory_space<vmem_shared>> -> memref<10112x128xf32, #tpu.memory_space<vmem_shared>>
      tpu.wait_indirect_dma semaphore(%arg18 : memref<!tpu.dma_semaphore, #tpu.memory_space<semaphore_mem>>) src(%arg15 : memref<128x128xf32, #tpu.memory_space<vmem>>) dst(%dma_wait3A_120 : memref<10112x128xf32, #tpu.memory_space<vmem_shared>>)
      %dma_wait3A_121 = arith.constant 0 : i32
      %dma_wait3A_122 = arith.constant 0 : i32
      %dma_wait3A_123 = tpu.memref_slice %arg16[%dma_wait3A_121, %dma_wait3A_122] : memref<10112x128xf32, #tpu.memory_space<vmem_shared>> -> memref<10112x128xf32, #tpu.memory_space<vmem_shared>>
      tpu.wait_indirect_dma semaphore(%arg18 : memref<!tpu.dma_semaphore, #tpu.memory_space<semaphore_mem>>) src(%arg15 : memref<128x128xf32, #tpu.memory_space<vmem>>) dst(%dma_wait3A_123 : memref<10112x128xf32, #tpu.memory_space<vmem_shared>>)
    }
    %scan3A_8 = arith.constant 9 : i32
    %barrier3A_9 = arith.constant 0 : index
    tpu.barrier barrier_id(%barrier3A_9)
    "tpu.region"() ({
      %run_scoped3A = tpu.sem_alloc : memref<!tpu.dma_semaphore, #tpu.memory_space<semaphore_mem>>
      %dma_start3A = arith.constant 0 : i32
      %dma_start3A_10 = tpu.memref_slice %arg5[%arg0, %mul3A_2, %dma_start3A] : memref<2x10112x128xf32, #tpu.memory_space<hbm>> -> memref<1x632x128xf32, #tpu.memory_space<hbm>>
      %dma_start3A_11 = tpu.memref_squeeze %dma_start3A_10 : memref<1x632x128xf32, #tpu.memory_space<hbm>> -> memref<632x128xf32, #tpu.memory_space<hbm>>
      %dma_start3A_12 = arith.constant 0 : i32
      %dma_start3A_13 = tpu.memref_slice %arg16[%mul3A_2, %dma_start3A_12] : memref<10112x128xf32, #tpu.memory_space<vmem_shared>> -> memref<632x128xf32, #tpu.memory_space<vmem_shared>>
      tpu.enqueue_dma source(%dma_start3A_13 : memref<632x128xf32, #tpu.memory_space<vmem_shared>>) target(%dma_start3A_11 : memref<632x128xf32, #tpu.memory_space<hbm>>) target_semaphore(%run_scoped3A : memref<!tpu.dma_semaphore, #tpu.memory_space<semaphore_mem>>)
      %dma_wait3A = arith.constant 0 : i32
      %dma_wait3A_14 = tpu.memref_slice %arg5[%arg0, %mul3A_2, %dma_wait3A] : memref<2x10112x128xf32, #tpu.memory_space<hbm>> -> memref<1x632x128xf32, #tpu.memory_space<hbm>>
      %dma_wait3A_15 = tpu.memref_squeeze %dma_wait3A_14 : memref<1x632x128xf32, #tpu.memory_space<hbm>> -> memref<632x128xf32, #tpu.memory_space<hbm>>
      %dma_wait3A_16 = arith.constant 0 : i32
      %dma_wait3A_17 = tpu.memref_slice %arg16[%mul3A_2, %dma_wait3A_16] : memref<10112x128xf32, #tpu.memory_space<vmem_shared>> -> memref<632x128xf32, #tpu.memory_space<vmem_shared>>
      tpu.wait_dma2 semaphore(%run_scoped3A : memref<!tpu.dma_semaphore, #tpu.memory_space<semaphore_mem>>) src(%dma_wait3A_17 : memref<632x128xf32, #tpu.memory_space<vmem_shared>>) dst(%dma_wait3A_15 : memref<632x128xf32, #tpu.memory_space<hbm>>)
      tpu.yield
    }) : () -> ()
    return
  }
}

#map = affine_map<(d0, d1) -> (0, 0)>
#map1 = affine_map<(d0, d1) -> (0)>
#map2 = affine_map<(d0, d1) -> (0, 0, 0)>
module attributes {stable_mosaic.version = 14 : i64} {
  func.func @_edge_pass(%arg0: i32, %arg1: i32, %arg2: memref<10112x128xf32, #tpu.memory_space<hbm>>, %arg3: memref<331776xi32, #tpu.memory_space<hbm>>, %arg4: memref<331776xi32, #tpu.memory_space<hbm>>, %arg5: memref<10112x128xf32, #tpu.memory_space<hbm>>, %arg6: memref<2x10112x128xf32, #tpu.memory_space<hbm>>, %arg7: memref<128xi32, #tpu.memory_space<vmem>>, %arg8: memref<128xi32, #tpu.memory_space<vmem>>, %arg9: memref<128xi32, #tpu.memory_space<vmem>>, %arg10: memref<128xi32, #tpu.memory_space<vmem>>, %arg11: memref<128xi32, #tpu.memory_space<vmem>>, %arg12: memref<128xi32, #tpu.memory_space<vmem>>, %arg13: memref<128x128xf32, #tpu.memory_space<vmem>>, %arg14: memref<128x128xf32, #tpu.memory_space<vmem>>, %arg15: memref<128x128xf32, #tpu.memory_space<vmem>>, %arg16: memref<10112x128xf32, #tpu.memory_space<vmem_shared>>, %arg17: memref<!tpu.dma_semaphore, #tpu.memory_space<semaphore_mem>>, %arg18: memref<!tpu.dma_semaphore, #tpu.memory_space<semaphore_mem>>, %arg19: memref<!tpu.dma_semaphore, #tpu.memory_space<semaphore_mem>>, %arg20: memref<!tpu.dma_semaphore, #tpu.memory_space<semaphore_mem>>, %arg21: memref<!tpu.dma_semaphore, #tpu.memory_space<semaphore_mem>>, %arg22: memref<!tpu.dma_semaphore, #tpu.memory_space<semaphore_mem>>, %arg23: memref<!tpu.dma_semaphore, #tpu.memory_space<semaphore_mem>>, %arg24: memref<!tpu.dma_semaphore, #tpu.memory_space<semaphore_mem>>, %arg25: memref<!tpu.dma_semaphore, #tpu.memory_space<semaphore_mem>>) attributes {dimension_semantics = [#tpu.dimension_semantics<core_parallel>, #tpu.dimension_semantics<subcore_parallel>], iteration_bounds = array<i64: 2, 16>, scalar_prefetch = 0 : i64, scratch_operands = 19 : i64, tpu.core_type = #tpu.core_type<sc_vector_subcore>, window_params = [{transform_indices = #map}, {transform_indices = #map1}, {transform_indices = #map1}, {transform_indices = #map}, {transform_indices = #map2}]} {
    %mul3A = arith.constant 16 : i32
    %mul3A_0 = arith.muli %arg0, %mul3A : i32
    %add3A = arith.addi %mul3A_0, %arg1 : i32
    %mul3A_1 = arith.constant 632 : i32
    %mul3A_2 = arith.muli %arg1, %mul3A_1 : i32
    "tpu.region"() ({
      %run_scoped3A = tpu.sem_alloc : memref<!tpu.dma_semaphore, #tpu.memory_space<semaphore_mem>>
      %dma_start3A_40 = arith.constant 0 : i32
      %dma_start3A_41 = tpu.memref_slice %arg16[%mul3A_2, %dma_start3A_40] : memref<10112x128xf32, #tpu.memory_space<vmem_shared>> -> memref<632x128xf32, #tpu.memory_space<vmem_shared>>
      %dma_start3A_42 = arith.constant 0 : i32
      %dma_start3A_43 = tpu.memref_slice %arg5[%mul3A_2, %dma_start3A_42] : memref<10112x128xf32, #tpu.memory_space<hbm>> -> memref<632x128xf32, #tpu.memory_space<hbm>>
      tpu.enqueue_dma source(%dma_start3A_43 : memref<632x128xf32, #tpu.memory_space<hbm>>) target(%dma_start3A_41 : memref<632x128xf32, #tpu.memory_space<vmem_shared>>) target_semaphore(%run_scoped3A : memref<!tpu.dma_semaphore, #tpu.memory_space<semaphore_mem>>)
      %dma_wait3A_44 = arith.constant 0 : i32
      %dma_wait3A_45 = tpu.memref_slice %arg16[%mul3A_2, %dma_wait3A_44] : memref<10112x128xf32, #tpu.memory_space<vmem_shared>> -> memref<632x128xf32, #tpu.memory_space<vmem_shared>>
      %dma_wait3A_46 = arith.constant 0 : i32
      %dma_wait3A_47 = tpu.memref_slice %arg5[%mul3A_2, %dma_wait3A_46] : memref<10112x128xf32, #tpu.memory_space<hbm>> -> memref<632x128xf32, #tpu.memory_space<hbm>>
      tpu.wait_dma2 semaphore(%run_scoped3A : memref<!tpu.dma_semaphore, #tpu.memory_space<semaphore_mem>>) src(%dma_wait3A_47 : memref<632x128xf32, #tpu.memory_space<hbm>>) dst(%dma_wait3A_45 : memref<632x128xf32, #tpu.memory_space<vmem_shared>>)
      tpu.yield
    }) : () -> ()
    %barrier3A = arith.constant 0 : index
    tpu.barrier barrier_id(%barrier3A)
    %mul3A_3 = arith.constant 10368 : i32
    %mul3A_4 = arith.muli %add3A, %mul3A_3 : i32
    %add3A_5 = arith.constant 0 : i32
    %add3A_6 = arith.addi %mul3A_4, %add3A_5 : i32
    %dma_start3A = tpu.memref_slice %arg3[%add3A_6] : memref<331776xi32, #tpu.memory_space<hbm>> -> memref<128xi32, #tpu.memory_space<hbm>>
    %dma_start3A_7 = tpu.memref_slice %arg3[%add3A_6] : memref<331776xi32, #tpu.memory_space<hbm>> -> memref<128xi32, #tpu.memory_space<hbm>>
    tpu.enqueue_dma source(%dma_start3A_7 : memref<128xi32, #tpu.memory_space<hbm>>) target(%arg7 : memref<128xi32, #tpu.memory_space<vmem>>) target_semaphore(%arg17 : memref<!tpu.dma_semaphore, #tpu.memory_space<semaphore_mem>>)
    %dma_start3A_8 = tpu.memref_slice %arg4[%add3A_6] : memref<331776xi32, #tpu.memory_space<hbm>> -> memref<128xi32, #tpu.memory_space<hbm>>
    %dma_start3A_9 = tpu.memref_slice %arg4[%add3A_6] : memref<331776xi32, #tpu.memory_space<hbm>> -> memref<128xi32, #tpu.memory_space<hbm>>
    tpu.enqueue_dma source(%dma_start3A_9 : memref<128xi32, #tpu.memory_space<hbm>>) target(%arg10 : memref<128xi32, #tpu.memory_space<vmem>>) target_semaphore(%arg20 : memref<!tpu.dma_semaphore, #tpu.memory_space<semaphore_mem>>)
    %add3A_10 = arith.constant 128 : i32
    %add3A_11 = arith.addi %mul3A_4, %add3A_10 : i32
    %dma_start3A_12 = tpu.memref_slice %arg3[%add3A_11] : memref<331776xi32, #tpu.memory_space<hbm>> -> memref<128xi32, #tpu.memory_space<hbm>>
    %dma_start3A_13 = tpu.memref_slice %arg3[%add3A_11] : memref<331776xi32, #tpu.memory_space<hbm>> -> memref<128xi32, #tpu.memory_space<hbm>>
    tpu.enqueue_dma source(%dma_start3A_13 : memref<128xi32, #tpu.memory_space<hbm>>) target(%arg8 : memref<128xi32, #tpu.memory_space<vmem>>) target_semaphore(%arg18 : memref<!tpu.dma_semaphore, #tpu.memory_space<semaphore_mem>>)
    %dma_start3A_14 = tpu.memref_slice %arg4[%add3A_11] : memref<331776xi32, #tpu.memory_space<hbm>> -> memref<128xi32, #tpu.memory_space<hbm>>
    %dma_start3A_15 = tpu.memref_slice %arg4[%add3A_11] : memref<331776xi32, #tpu.memory_space<hbm>> -> memref<128xi32, #tpu.memory_space<hbm>>
    tpu.enqueue_dma source(%dma_start3A_15 : memref<128xi32, #tpu.memory_space<hbm>>) target(%arg11 : memref<128xi32, #tpu.memory_space<vmem>>) target_semaphore(%arg21 : memref<!tpu.dma_semaphore, #tpu.memory_space<semaphore_mem>>)
    %add3A_16 = arith.constant 256 : i32
    %add3A_17 = arith.addi %mul3A_4, %add3A_16 : i32
    %dma_start3A_18 = tpu.memref_slice %arg3[%add3A_17] : memref<331776xi32, #tpu.memory_space<hbm>> -> memref<128xi32, #tpu.memory_space<hbm>>
    %dma_start3A_19 = tpu.memref_slice %arg3[%add3A_17] : memref<331776xi32, #tpu.memory_space<hbm>> -> memref<128xi32, #tpu.memory_space<hbm>>
    tpu.enqueue_dma source(%dma_start3A_19 : memref<128xi32, #tpu.memory_space<hbm>>) target(%arg9 : memref<128xi32, #tpu.memory_space<vmem>>) target_semaphore(%arg19 : memref<!tpu.dma_semaphore, #tpu.memory_space<semaphore_mem>>)
    %dma_start3A_20 = tpu.memref_slice %arg4[%add3A_17] : memref<331776xi32, #tpu.memory_space<hbm>> -> memref<128xi32, #tpu.memory_space<hbm>>
    %dma_start3A_21 = tpu.memref_slice %arg4[%add3A_17] : memref<331776xi32, #tpu.memory_space<hbm>> -> memref<128xi32, #tpu.memory_space<hbm>>
    tpu.enqueue_dma source(%dma_start3A_21 : memref<128xi32, #tpu.memory_space<hbm>>) target(%arg12 : memref<128xi32, #tpu.memory_space<vmem>>) target_semaphore(%arg22 : memref<!tpu.dma_semaphore, #tpu.memory_space<semaphore_mem>>)
    %add3A_22 = arith.constant 0 : i32
    %add3A_23 = arith.addi %mul3A_4, %add3A_22 : i32
    %dma_wait3A = tpu.memref_slice %arg3[%add3A_23] : memref<331776xi32, #tpu.memory_space<hbm>> -> memref<128xi32, #tpu.memory_space<hbm>>
    %dma_wait3A_24 = tpu.memref_slice %arg3[%add3A_23] : memref<331776xi32, #tpu.memory_space<hbm>> -> memref<128xi32, #tpu.memory_space<hbm>>
    tpu.wait_dma2 semaphore(%arg17 : memref<!tpu.dma_semaphore, #tpu.memory_space<semaphore_mem>>) src(%dma_wait3A_24 : memref<128xi32, #tpu.memory_space<hbm>>) dst(%arg7 : memref<128xi32, #tpu.memory_space<vmem>>)
    %dma_start3A_25 = arith.constant 0 : i32
    %dma_start3A_26 = arith.constant 0 : i32
    %dma_start3A_27 = tpu.memref_slice %arg2[%dma_start3A_25, %dma_start3A_26] : memref<10112x128xf32, #tpu.memory_space<hbm>> -> memref<10112x128xf32, #tpu.memory_space<hbm>>
    tpu.enqueue_indirect_dma source(%dma_start3A_27 : memref<10112x128xf32, #tpu.memory_space<hbm>>) target(%arg13 : memref<128x128xf32, #tpu.memory_space<vmem>>) offsets(%arg7 : memref<128xi32, #tpu.memory_space<vmem>>) semaphore(%arg23 : memref<!tpu.dma_semaphore, #tpu.memory_space<semaphore_mem>>)
    %add3A_28 = arith.constant 128 : i32
    %add3A_29 = arith.addi %mul3A_4, %add3A_28 : i32
    %dma_wait3A_30 = tpu.memref_slice %arg3[%add3A_29] : memref<331776xi32, #tpu.memory_space<hbm>> -> memref<128xi32, #tpu.memory_space<hbm>>
    %dma_wait3A_31 = tpu.memref_slice %arg3[%add3A_29] : memref<331776xi32, #tpu.memory_space<hbm>> -> memref<128xi32, #tpu.memory_space<hbm>>
    tpu.wait_dma2 semaphore(%arg18 : memref<!tpu.dma_semaphore, #tpu.memory_space<semaphore_mem>>) src(%dma_wait3A_31 : memref<128xi32, #tpu.memory_space<hbm>>) dst(%arg8 : memref<128xi32, #tpu.memory_space<vmem>>)
    %dma_start3A_32 = arith.constant 0 : i32
    %dma_start3A_33 = arith.constant 0 : i32
    %dma_start3A_34 = tpu.memref_slice %arg2[%dma_start3A_32, %dma_start3A_33] : memref<10112x128xf32, #tpu.memory_space<hbm>> -> memref<10112x128xf32, #tpu.memory_space<hbm>>
    tpu.enqueue_indirect_dma source(%dma_start3A_34 : memref<10112x128xf32, #tpu.memory_space<hbm>>) target(%arg14 : memref<128x128xf32, #tpu.memory_space<vmem>>) offsets(%arg8 : memref<128xi32, #tpu.memory_space<vmem>>) semaphore(%arg24 : memref<!tpu.dma_semaphore, #tpu.memory_space<semaphore_mem>>)
    %scan3A = arith.constant 0 : i32
    %scan3A_35 = arith.constant 27 : i32
    %scan3A_36 = arith.addi %scan3A, %scan3A_35 : i32
    %scan3A_37 = arith.constant 1 : i32
    scf.for %scan3A_40 = %scan3A to %scan3A_36 step %scan3A_37  : i32 {
      %mul3A_41 = arith.constant 1 : i32
      %mul3A_42 = arith.muli %scan3A_40, %mul3A_41 : i32
      %add3A_43 = arith.constant 0 : i32
      %add3A_44 = arith.addi %add3A_43, %mul3A_42 : i32
      %mul3A_45 = arith.constant 3 : i32
      %mul3A_46 = arith.muli %add3A_44, %mul3A_45 : i32
      %dma_wait3A_47 = arith.constant 0 : i32
      %dma_wait3A_48 = arith.constant 0 : i32
      %dma_wait3A_49 = tpu.memref_slice %arg2[%dma_wait3A_47, %dma_wait3A_48] : memref<10112x128xf32, #tpu.memory_space<hbm>> -> memref<10112x128xf32, #tpu.memory_space<hbm>>
      tpu.wait_indirect_dma semaphore(%arg23 : memref<!tpu.dma_semaphore, #tpu.memory_space<semaphore_mem>>) src(%dma_wait3A_49 : memref<10112x128xf32, #tpu.memory_space<hbm>>) dst(%arg13 : memref<128x128xf32, #tpu.memory_space<vmem>>)
      %add3A_50 = arith.constant 2 : i32
      %add3A_51 = arith.addi %mul3A_46, %add3A_50 : i32
      %lt3A = arith.constant 81 : i32
      %lt3A_52 = arith.cmpi slt, %add3A_51, %lt3A : i32
      %convert_element_type3A = arith.extui %lt3A_52 : i1 to i32
      %cond3A = arith.constant 0 : i32
      %cond3A_53 = arith.cmpi ne, %convert_element_type3A, %cond3A : i32
      scf.if %cond3A_53 {
        %add3A_114 = arith.constant 2 : i32
        %add3A_115 = arith.addi %mul3A_46, %add3A_114 : i32
        %mul3A_116 = arith.constant 128 : i32
        %mul3A_117 = arith.muli %add3A_115, %mul3A_116 : i32
        %add3A_118 = arith.addi %mul3A_4, %mul3A_117 : i32
        %dma_wait3A_119 = tpu.memref_slice %arg3[%add3A_118] : memref<331776xi32, #tpu.memory_space<hbm>> -> memref<128xi32, #tpu.memory_space<hbm>>
        %dma_wait3A_120 = tpu.memref_slice %arg3[%add3A_118] : memref<331776xi32, #tpu.memory_space<hbm>> -> memref<128xi32, #tpu.memory_space<hbm>>
        tpu.wait_dma2 semaphore(%arg19 : memref<!tpu.dma_semaphore, #tpu.memory_space<semaphore_mem>>) src(%dma_wait3A_120 : memref<128xi32, #tpu.memory_space<hbm>>) dst(%arg9 : memref<128xi32, #tpu.memory_space<vmem>>)
        %dma_start3A_121 = arith.constant 0 : i32
        %dma_start3A_122 = arith.constant 0 : i32
        %dma_start3A_123 = tpu.memref_slice %arg2[%dma_start3A_121, %dma_start3A_122] : memref<10112x128xf32, #tpu.memory_space<hbm>> -> memref<10112x128xf32, #tpu.memory_space<hbm>>
        tpu.enqueue_indirect_dma source(%dma_start3A_123 : memref<10112x128xf32, #tpu.memory_space<hbm>>) target(%arg15 : memref<128x128xf32, #tpu.memory_space<vmem>>) offsets(%arg9 : memref<128xi32, #tpu.memory_space<vmem>>) semaphore(%arg25 : memref<!tpu.dma_semaphore, #tpu.memory_space<semaphore_mem>>)
      } else {
      }
      %mul3A_54 = arith.constant 128 : i32
      %mul3A_55 = arith.muli %mul3A_46, %mul3A_54 : i32
      %add3A_56 = arith.addi %mul3A_4, %mul3A_55 : i32
      %dma_wait3A_57 = tpu.memref_slice %arg4[%add3A_56] : memref<331776xi32, #tpu.memory_space<hbm>> -> memref<128xi32, #tpu.memory_space<hbm>>
      %dma_wait3A_58 = tpu.memref_slice %arg4[%add3A_56] : memref<331776xi32, #tpu.memory_space<hbm>> -> memref<128xi32, #tpu.memory_space<hbm>>
      tpu.wait_dma2 semaphore(%arg20 : memref<!tpu.dma_semaphore, #tpu.memory_space<semaphore_mem>>) src(%dma_wait3A_58 : memref<128xi32, #tpu.memory_space<hbm>>) dst(%arg10 : memref<128xi32, #tpu.memory_space<vmem>>)
      "tpu.region"() ({
        %run_scoped3A = tpu.sem_alloc : memref<!tpu.dma_semaphore, #tpu.memory_space<semaphore_mem>>
        %dma_start3A_114 = arith.constant 0 : i32
        %dma_start3A_115 = arith.constant 0 : i32
        %dma_start3A_116 = tpu.memref_slice %arg16[%dma_start3A_114, %dma_start3A_115] : memref<10112x128xf32, #tpu.memory_space<vmem_shared>> -> memref<10112x128xf32, #tpu.memory_space<vmem_shared>>
        tpu.enqueue_indirect_dma source(%arg13 : memref<128x128xf32, #tpu.memory_space<vmem>>) target(%dma_start3A_116 : memref<10112x128xf32, #tpu.memory_space<vmem_shared>>) offsets(%arg10 : memref<128xi32, #tpu.memory_space<vmem>>) semaphore(%run_scoped3A : memref<!tpu.dma_semaphore, #tpu.memory_space<semaphore_mem>>) {add = true}
        %dma_wait3A_117 = arith.constant 0 : i32
        %dma_wait3A_118 = arith.constant 0 : i32
        %dma_wait3A_119 = tpu.memref_slice %arg16[%dma_wait3A_117, %dma_wait3A_118] : memref<10112x128xf32, #tpu.memory_space<vmem_shared>> -> memref<10112x128xf32, #tpu.memory_space<vmem_shared>>
        tpu.wait_indirect_dma semaphore(%run_scoped3A : memref<!tpu.dma_semaphore, #tpu.memory_space<semaphore_mem>>) src(%arg13 : memref<128x128xf32, #tpu.memory_space<vmem>>) dst(%dma_wait3A_119 : memref<10112x128xf32, #tpu.memory_space<vmem_shared>>)
        tpu.yield
      }) : () -> ()
      %add3A_59 = arith.constant 3 : i32
      %add3A_60 = arith.addi %mul3A_46, %add3A_59 : i32
      %lt3A_61 = arith.constant 81 : i32
      %lt3A_62 = arith.cmpi slt, %add3A_60, %lt3A_61 : i32
      %convert_element_type3A_63 = arith.extui %lt3A_62 : i1 to i32
      %cond3A_64 = arith.constant 0 : i32
      %cond3A_65 = arith.cmpi ne, %convert_element_type3A_63, %cond3A_64 : i32
      scf.if %cond3A_65 {
        %add3A_114 = arith.constant 3 : i32
        %add3A_115 = arith.addi %mul3A_46, %add3A_114 : i32
        %mul3A_116 = arith.constant 128 : i32
        %mul3A_117 = arith.muli %add3A_115, %mul3A_116 : i32
        %add3A_118 = arith.addi %mul3A_4, %mul3A_117 : i32
        %dma_start3A_119 = tpu.memref_slice %arg3[%add3A_118] : memref<331776xi32, #tpu.memory_space<hbm>> -> memref<128xi32, #tpu.memory_space<hbm>>
        %dma_start3A_120 = tpu.memref_slice %arg3[%add3A_118] : memref<331776xi32, #tpu.memory_space<hbm>> -> memref<128xi32, #tpu.memory_space<hbm>>
        tpu.enqueue_dma source(%dma_start3A_120 : memref<128xi32, #tpu.memory_space<hbm>>) target(%arg7 : memref<128xi32, #tpu.memory_space<vmem>>) target_semaphore(%arg17 : memref<!tpu.dma_semaphore, #tpu.memory_space<semaphore_mem>>)
        %dma_start3A_121 = tpu.memref_slice %arg4[%add3A_118] : memref<331776xi32, #tpu.memory_space<hbm>> -> memref<128xi32, #tpu.memory_space<hbm>>
        %dma_start3A_122 = tpu.memref_slice %arg4[%add3A_118] : memref<331776xi32, #tpu.memory_space<hbm>> -> memref<128xi32, #tpu.memory_space<hbm>>
        tpu.enqueue_dma source(%dma_start3A_122 : memref<128xi32, #tpu.memory_space<hbm>>) target(%arg10 : memref<128xi32, #tpu.memory_space<vmem>>) target_semaphore(%arg20 : memref<!tpu.dma_semaphore, #tpu.memory_space<semaphore_mem>>)
      } else {
      }
      %add3A_66 = arith.constant 1 : i32
      %add3A_67 = arith.addi %mul3A_46, %add3A_66 : i32
      %dma_wait3A_68 = arith.constant 0 : i32
      %dma_wait3A_69 = arith.constant 0 : i32
      %dma_wait3A_70 = tpu.memref_slice %arg2[%dma_wait3A_68, %dma_wait3A_69] : memref<10112x128xf32, #tpu.memory_space<hbm>> -> memref<10112x128xf32, #tpu.memory_space<hbm>>
      tpu.wait_indirect_dma semaphore(%arg24 : memref<!tpu.dma_semaphore, #tpu.memory_space<semaphore_mem>>) src(%dma_wait3A_70 : memref<10112x128xf32, #tpu.memory_space<hbm>>) dst(%arg14 : memref<128x128xf32, #tpu.memory_space<vmem>>)
      %add3A_71 = arith.constant 2 : i32
      %add3A_72 = arith.addi %add3A_67, %add3A_71 : i32
      %lt3A_73 = arith.constant 81 : i32
      %lt3A_74 = arith.cmpi slt, %add3A_72, %lt3A_73 : i32
      %convert_element_type3A_75 = arith.extui %lt3A_74 : i1 to i32
      %cond3A_76 = arith.constant 0 : i32
      %cond3A_77 = arith.cmpi ne, %convert_element_type3A_75, %cond3A_76 : i32
      scf.if %cond3A_77 {
        %add3A_114 = arith.constant 2 : i32
        %add3A_115 = arith.addi %add3A_67, %add3A_114 : i32
        %mul3A_116 = arith.constant 128 : i32
        %mul3A_117 = arith.muli %add3A_115, %mul3A_116 : i32
        %add3A_118 = arith.addi %mul3A_4, %mul3A_117 : i32
        %dma_wait3A_119 = tpu.memref_slice %arg3[%add3A_118] : memref<331776xi32, #tpu.memory_space<hbm>> -> memref<128xi32, #tpu.memory_space<hbm>>
        %dma_wait3A_120 = tpu.memref_slice %arg3[%add3A_118] : memref<331776xi32, #tpu.memory_space<hbm>> -> memref<128xi32, #tpu.memory_space<hbm>>
        tpu.wait_dma2 semaphore(%arg17 : memref<!tpu.dma_semaphore, #tpu.memory_space<semaphore_mem>>) src(%dma_wait3A_120 : memref<128xi32, #tpu.memory_space<hbm>>) dst(%arg7 : memref<128xi32, #tpu.memory_space<vmem>>)
        %dma_start3A_121 = arith.constant 0 : i32
        %dma_start3A_122 = arith.constant 0 : i32
        %dma_start3A_123 = tpu.memref_slice %arg2[%dma_start3A_121, %dma_start3A_122] : memref<10112x128xf32, #tpu.memory_space<hbm>> -> memref<10112x128xf32, #tpu.memory_space<hbm>>
        tpu.enqueue_indirect_dma source(%dma_start3A_123 : memref<10112x128xf32, #tpu.memory_space<hbm>>) target(%arg13 : memref<128x128xf32, #tpu.memory_space<vmem>>) offsets(%arg7 : memref<128xi32, #tpu.memory_space<vmem>>) semaphore(%arg23 : memref<!tpu.dma_semaphore, #tpu.memory_space<semaphore_mem>>)
      } else {
      }
      %mul3A_78 = arith.constant 128 : i32
      %mul3A_79 = arith.muli %add3A_67, %mul3A_78 : i32
      %add3A_80 = arith.addi %mul3A_4, %mul3A_79 : i32
      %dma_wait3A_81 = tpu.memref_slice %arg4[%add3A_80] : memref<331776xi32, #tpu.memory_space<hbm>> -> memref<128xi32, #tpu.memory_space<hbm>>
      %dma_wait3A_82 = tpu.memref_slice %arg4[%add3A_80] : memref<331776xi32, #tpu.memory_space<hbm>> -> memref<128xi32, #tpu.memory_space<hbm>>
      tpu.wait_dma2 semaphore(%arg21 : memref<!tpu.dma_semaphore, #tpu.memory_space<semaphore_mem>>) src(%dma_wait3A_82 : memref<128xi32, #tpu.memory_space<hbm>>) dst(%arg11 : memref<128xi32, #tpu.memory_space<vmem>>)
      "tpu.region"() ({
        %run_scoped3A = tpu.sem_alloc : memref<!tpu.dma_semaphore, #tpu.memory_space<semaphore_mem>>
        %dma_start3A_114 = arith.constant 0 : i32
        %dma_start3A_115 = arith.constant 0 : i32
        %dma_start3A_116 = tpu.memref_slice %arg16[%dma_start3A_114, %dma_start3A_115] : memref<10112x128xf32, #tpu.memory_space<vmem_shared>> -> memref<10112x128xf32, #tpu.memory_space<vmem_shared>>
        tpu.enqueue_indirect_dma source(%arg14 : memref<128x128xf32, #tpu.memory_space<vmem>>) target(%dma_start3A_116 : memref<10112x128xf32, #tpu.memory_space<vmem_shared>>) offsets(%arg11 : memref<128xi32, #tpu.memory_space<vmem>>) semaphore(%run_scoped3A : memref<!tpu.dma_semaphore, #tpu.memory_space<semaphore_mem>>) {add = true}
        %dma_wait3A_117 = arith.constant 0 : i32
        %dma_wait3A_118 = arith.constant 0 : i32
        %dma_wait3A_119 = tpu.memref_slice %arg16[%dma_wait3A_117, %dma_wait3A_118] : memref<10112x128xf32, #tpu.memory_space<vmem_shared>> -> memref<10112x128xf32, #tpu.memory_space<vmem_shared>>
        tpu.wait_indirect_dma semaphore(%run_scoped3A : memref<!tpu.dma_semaphore, #tpu.memory_space<semaphore_mem>>) src(%arg14 : memref<128x128xf32, #tpu.memory_space<vmem>>) dst(%dma_wait3A_119 : memref<10112x128xf32, #tpu.memory_space<vmem_shared>>)
        tpu.yield
      }) : () -> ()
      %add3A_83 = arith.constant 3 : i32
      %add3A_84 = arith.addi %add3A_67, %add3A_83 : i32
      %lt3A_85 = arith.constant 81 : i32
      %lt3A_86 = arith.cmpi slt, %add3A_84, %lt3A_85 : i32
      %convert_element_type3A_87 = arith.extui %lt3A_86 : i1 to i32
      %cond3A_88 = arith.constant 0 : i32
      %cond3A_89 = arith.cmpi ne, %convert_element_type3A_87, %cond3A_88 : i32
      scf.if %cond3A_89 {
        %add3A_114 = arith.constant 3 : i32
        %add3A_115 = arith.addi %add3A_67, %add3A_114 : i32
        %mul3A_116 = arith.constant 128 : i32
        %mul3A_117 = arith.muli %add3A_115, %mul3A_116 : i32
        %add3A_118 = arith.addi %mul3A_4, %mul3A_117 : i32
        %dma_start3A_119 = tpu.memref_slice %arg3[%add3A_118] : memref<331776xi32, #tpu.memory_space<hbm>> -> memref<128xi32, #tpu.memory_space<hbm>>
        %dma_start3A_120 = tpu.memref_slice %arg3[%add3A_118] : memref<331776xi32, #tpu.memory_space<hbm>> -> memref<128xi32, #tpu.memory_space<hbm>>
        tpu.enqueue_dma source(%dma_start3A_120 : memref<128xi32, #tpu.memory_space<hbm>>) target(%arg8 : memref<128xi32, #tpu.memory_space<vmem>>) target_semaphore(%arg18 : memref<!tpu.dma_semaphore, #tpu.memory_space<semaphore_mem>>)
        %dma_start3A_121 = tpu.memref_slice %arg4[%add3A_118] : memref<331776xi32, #tpu.memory_space<hbm>> -> memref<128xi32, #tpu.memory_space<hbm>>
        %dma_start3A_122 = tpu.memref_slice %arg4[%add3A_118] : memref<331776xi32, #tpu.memory_space<hbm>> -> memref<128xi32, #tpu.memory_space<hbm>>
        tpu.enqueue_dma source(%dma_start3A_122 : memref<128xi32, #tpu.memory_space<hbm>>) target(%arg11 : memref<128xi32, #tpu.memory_space<vmem>>) target_semaphore(%arg21 : memref<!tpu.dma_semaphore, #tpu.memory_space<semaphore_mem>>)
      } else {
      }
      %add3A_90 = arith.constant 2 : i32
      %add3A_91 = arith.addi %mul3A_46, %add3A_90 : i32
      %dma_wait3A_92 = arith.constant 0 : i32
      %dma_wait3A_93 = arith.constant 0 : i32
      %dma_wait3A_94 = tpu.memref_slice %arg2[%dma_wait3A_92, %dma_wait3A_93] : memref<10112x128xf32, #tpu.memory_space<hbm>> -> memref<10112x128xf32, #tpu.memory_space<hbm>>
      tpu.wait_indirect_dma semaphore(%arg25 : memref<!tpu.dma_semaphore, #tpu.memory_space<semaphore_mem>>) src(%dma_wait3A_94 : memref<10112x128xf32, #tpu.memory_space<hbm>>) dst(%arg15 : memref<128x128xf32, #tpu.memory_space<vmem>>)
      %add3A_95 = arith.constant 2 : i32
      %add3A_96 = arith.addi %add3A_91, %add3A_95 : i32
      %lt3A_97 = arith.constant 81 : i32
      %lt3A_98 = arith.cmpi slt, %add3A_96, %lt3A_97 : i32
      %convert_element_type3A_99 = arith.extui %lt3A_98 : i1 to i32
      %cond3A_100 = arith.constant 0 : i32
      %cond3A_101 = arith.cmpi ne, %convert_element_type3A_99, %cond3A_100 : i32
      scf.if %cond3A_101 {
        %add3A_114 = arith.constant 2 : i32
        %add3A_115 = arith.addi %add3A_91, %add3A_114 : i32
        %mul3A_116 = arith.constant 128 : i32
        %mul3A_117 = arith.muli %add3A_115, %mul3A_116 : i32
        %add3A_118 = arith.addi %mul3A_4, %mul3A_117 : i32
        %dma_wait3A_119 = tpu.memref_slice %arg3[%add3A_118] : memref<331776xi32, #tpu.memory_space<hbm>> -> memref<128xi32, #tpu.memory_space<hbm>>
        %dma_wait3A_120 = tpu.memref_slice %arg3[%add3A_118] : memref<331776xi32, #tpu.memory_space<hbm>> -> memref<128xi32, #tpu.memory_space<hbm>>
        tpu.wait_dma2 semaphore(%arg18 : memref<!tpu.dma_semaphore, #tpu.memory_space<semaphore_mem>>) src(%dma_wait3A_120 : memref<128xi32, #tpu.memory_space<hbm>>) dst(%arg8 : memref<128xi32, #tpu.memory_space<vmem>>)
        %dma_start3A_121 = arith.constant 0 : i32
        %dma_start3A_122 = arith.constant 0 : i32
        %dma_start3A_123 = tpu.memref_slice %arg2[%dma_start3A_121, %dma_start3A_122] : memref<10112x128xf32, #tpu.memory_space<hbm>> -> memref<10112x128xf32, #tpu.memory_space<hbm>>
        tpu.enqueue_indirect_dma source(%dma_start3A_123 : memref<10112x128xf32, #tpu.memory_space<hbm>>) target(%arg14 : memref<128x128xf32, #tpu.memory_space<vmem>>) offsets(%arg8 : memref<128xi32, #tpu.memory_space<vmem>>) semaphore(%arg24 : memref<!tpu.dma_semaphore, #tpu.memory_space<semaphore_mem>>)
      } else {
      }
      %mul3A_102 = arith.constant 128 : i32
      %mul3A_103 = arith.muli %add3A_91, %mul3A_102 : i32
      %add3A_104 = arith.addi %mul3A_4, %mul3A_103 : i32
      %dma_wait3A_105 = tpu.memref_slice %arg4[%add3A_104] : memref<331776xi32, #tpu.memory_space<hbm>> -> memref<128xi32, #tpu.memory_space<hbm>>
      %dma_wait3A_106 = tpu.memref_slice %arg4[%add3A_104] : memref<331776xi32, #tpu.memory_space<hbm>> -> memref<128xi32, #tpu.memory_space<hbm>>
      tpu.wait_dma2 semaphore(%arg22 : memref<!tpu.dma_semaphore, #tpu.memory_space<semaphore_mem>>) src(%dma_wait3A_106 : memref<128xi32, #tpu.memory_space<hbm>>) dst(%arg12 : memref<128xi32, #tpu.memory_space<vmem>>)
      "tpu.region"() ({
        %run_scoped3A = tpu.sem_alloc : memref<!tpu.dma_semaphore, #tpu.memory_space<semaphore_mem>>
        %dma_start3A_114 = arith.constant 0 : i32
        %dma_start3A_115 = arith.constant 0 : i32
        %dma_start3A_116 = tpu.memref_slice %arg16[%dma_start3A_114, %dma_start3A_115] : memref<10112x128xf32, #tpu.memory_space<vmem_shared>> -> memref<10112x128xf32, #tpu.memory_space<vmem_shared>>
        tpu.enqueue_indirect_dma source(%arg15 : memref<128x128xf32, #tpu.memory_space<vmem>>) target(%dma_start3A_116 : memref<10112x128xf32, #tpu.memory_space<vmem_shared>>) offsets(%arg12 : memref<128xi32, #tpu.memory_space<vmem>>) semaphore(%run_scoped3A : memref<!tpu.dma_semaphore, #tpu.memory_space<semaphore_mem>>) {add = true}
        %dma_wait3A_117 = arith.constant 0 : i32
        %dma_wait3A_118 = arith.constant 0 : i32
        %dma_wait3A_119 = tpu.memref_slice %arg16[%dma_wait3A_117, %dma_wait3A_118] : memref<10112x128xf32, #tpu.memory_space<vmem_shared>> -> memref<10112x128xf32, #tpu.memory_space<vmem_shared>>
        tpu.wait_indirect_dma semaphore(%run_scoped3A : memref<!tpu.dma_semaphore, #tpu.memory_space<semaphore_mem>>) src(%arg15 : memref<128x128xf32, #tpu.memory_space<vmem>>) dst(%dma_wait3A_119 : memref<10112x128xf32, #tpu.memory_space<vmem_shared>>)
        tpu.yield
      }) : () -> ()
      %add3A_107 = arith.constant 3 : i32
      %add3A_108 = arith.addi %add3A_91, %add3A_107 : i32
      %lt3A_109 = arith.constant 81 : i32
      %lt3A_110 = arith.cmpi slt, %add3A_108, %lt3A_109 : i32
      %convert_element_type3A_111 = arith.extui %lt3A_110 : i1 to i32
      %cond3A_112 = arith.constant 0 : i32
      %cond3A_113 = arith.cmpi ne, %convert_element_type3A_111, %cond3A_112 : i32
      scf.if %cond3A_113 {
        %add3A_114 = arith.constant 3 : i32
        %add3A_115 = arith.addi %add3A_91, %add3A_114 : i32
        %mul3A_116 = arith.constant 128 : i32
        %mul3A_117 = arith.muli %add3A_115, %mul3A_116 : i32
        %add3A_118 = arith.addi %mul3A_4, %mul3A_117 : i32
        %dma_start3A_119 = tpu.memref_slice %arg3[%add3A_118] : memref<331776xi32, #tpu.memory_space<hbm>> -> memref<128xi32, #tpu.memory_space<hbm>>
        %dma_start3A_120 = tpu.memref_slice %arg3[%add3A_118] : memref<331776xi32, #tpu.memory_space<hbm>> -> memref<128xi32, #tpu.memory_space<hbm>>
        tpu.enqueue_dma source(%dma_start3A_120 : memref<128xi32, #tpu.memory_space<hbm>>) target(%arg9 : memref<128xi32, #tpu.memory_space<vmem>>) target_semaphore(%arg19 : memref<!tpu.dma_semaphore, #tpu.memory_space<semaphore_mem>>)
        %dma_start3A_121 = tpu.memref_slice %arg4[%add3A_118] : memref<331776xi32, #tpu.memory_space<hbm>> -> memref<128xi32, #tpu.memory_space<hbm>>
        %dma_start3A_122 = tpu.memref_slice %arg4[%add3A_118] : memref<331776xi32, #tpu.memory_space<hbm>> -> memref<128xi32, #tpu.memory_space<hbm>>
        tpu.enqueue_dma source(%dma_start3A_122 : memref<128xi32, #tpu.memory_space<hbm>>) target(%arg12 : memref<128xi32, #tpu.memory_space<vmem>>) target_semaphore(%arg22 : memref<!tpu.dma_semaphore, #tpu.memory_space<semaphore_mem>>)
      } else {
      }
    }
    %scan3A_38 = arith.constant 27 : i32
    %barrier3A_39 = arith.constant 0 : index
    tpu.barrier barrier_id(%barrier3A_39)
    "tpu.region"() ({
      %run_scoped3A = tpu.sem_alloc : memref<!tpu.dma_semaphore, #tpu.memory_space<semaphore_mem>>
      %dma_start3A_40 = arith.constant 0 : i32
      %dma_start3A_41 = tpu.memref_slice %arg6[%arg0, %mul3A_2, %dma_start3A_40] : memref<2x10112x128xf32, #tpu.memory_space<hbm>> -> memref<1x632x128xf32, #tpu.memory_space<hbm>>
      %dma_start3A_42 = tpu.memref_squeeze %dma_start3A_41 : memref<1x632x128xf32, #tpu.memory_space<hbm>> -> memref<632x128xf32, #tpu.memory_space<hbm>>
      %dma_start3A_43 = arith.constant 0 : i32
      %dma_start3A_44 = tpu.memref_slice %arg16[%mul3A_2, %dma_start3A_43] : memref<10112x128xf32, #tpu.memory_space<vmem_shared>> -> memref<632x128xf32, #tpu.memory_space<vmem_shared>>
      tpu.enqueue_dma source(%dma_start3A_44 : memref<632x128xf32, #tpu.memory_space<vmem_shared>>) target(%dma_start3A_42 : memref<632x128xf32, #tpu.memory_space<hbm>>) target_semaphore(%run_scoped3A : memref<!tpu.dma_semaphore, #tpu.memory_space<semaphore_mem>>)
      %dma_wait3A_45 = arith.constant 0 : i32
      %dma_wait3A_46 = tpu.memref_slice %arg6[%arg0, %mul3A_2, %dma_wait3A_45] : memref<2x10112x128xf32, #tpu.memory_space<hbm>> -> memref<1x632x128xf32, #tpu.memory_space<hbm>>
      %dma_wait3A_47 = tpu.memref_squeeze %dma_wait3A_46 : memref<1x632x128xf32, #tpu.memory_space<hbm>> -> memref<632x128xf32, #tpu.memory_space<hbm>>
      %dma_wait3A_48 = arith.constant 0 : i32
      %dma_wait3A_49 = tpu.memref_slice %arg16[%mul3A_2, %dma_wait3A_48] : memref<10112x128xf32, #tpu.memory_space<vmem_shared>> -> memref<632x128xf32, #tpu.memory_space<vmem_shared>>
      tpu.wait_dma2 semaphore(%run_scoped3A : memref<!tpu.dma_semaphore, #tpu.memory_space<semaphore_mem>>) src(%dma_wait3A_49 : memref<632x128xf32, #tpu.memory_space<vmem_shared>>) dst(%dma_wait3A_47 : memref<632x128xf32, #tpu.memory_space<hbm>>)
      tpu.yield
    }) : () -> ()
    return
  }
}

module attributes {stable_mosaic.version = 14 : i64} {
  func.func @_prep_body(%arg0: memref<10112x128xf32, #tpu.memory_space<vmem>>, %arg1: memref<128x128xf32, #tpu.memory_space<vmem>>, %arg2: memref<2x10112x128xf32, #tpu.memory_space<vmem>>, %arg3: memref<10112x128xf32, #tpu.memory_space<vmem>>, %arg4: memref<10112x128xf32, #tpu.memory_space<vmem>>, %arg5: memref<10112x1xf32, #tpu.memory_space<vmem>>) attributes {dimension_semantics = [], scalar_prefetch = 0 : i64, scratch_operands = 0 : i64, tpu.core_type = #tpu.core_type<tc>} {
    %get3A = arith.constant 0 : index
    %get3A_0 = arith.constant 0 : index
    %get3A_1 = arith.constant 0 : index
    %get3A_2 = vector.load %arg2[%get3A, %get3A_0, %get3A_1] : memref<2x10112x128xf32, #tpu.memory_space<vmem>>, vector<1x10112x1xf32>
    %get3A_3 = vector.shape_cast %get3A_2 : vector<1x10112x1xf32> to vector<10112x1xf32>
    %get3A_4 = arith.constant 1 : index
    %get3A_5 = arith.constant 0 : index
    %get3A_6 = arith.constant 0 : index
    %get3A_7 = vector.load %arg2[%get3A_4, %get3A_5, %get3A_6] : memref<2x10112x128xf32, #tpu.memory_space<vmem>>, vector<1x10112x1xf32>
    %get3A_8 = vector.shape_cast %get3A_7 : vector<1x10112x1xf32> to vector<10112x1xf32>
    %add3A = arith.addf %get3A_3, %get3A_8 : vector<10112x1xf32>
    %add3A_9 = arith.constant 1.000000e+00 : f32
    %add3A_10 = vector.broadcast %add3A_9 : f32 to vector<10112x1xf32>
    %add3A_11 = arith.addf %add3A, %add3A_10 : vector<10112x1xf32>
    %rsqrt3A = math.rsqrt %add3A_11 : vector<10112x1xf32>
    %get3A_12 = arith.constant 0 : index
    %get3A_13 = arith.constant 0 : index
    %get3A_14 = vector.load %arg0[%get3A_12, %get3A_13] : memref<10112x128xf32, #tpu.memory_space<vmem>>, vector<10112x128xf32>
    %get3A_15 = arith.constant 0 : index
    %get3A_16 = arith.constant 0 : index
    %get3A_17 = vector.load %arg1[%get3A_15, %get3A_16] : memref<128x128xf32, #tpu.memory_space<vmem>>, vector<128x128xf32>
    %dot_general3A = arith.constant dense<0.000000e+00> : vector<10112x128xf32>
    %dot_general3A_18 = tpu.matmul %get3A_14, %get3A_17, %dot_general3A {dimension_numbers = #tpu.dot_dimension_numbers<[1], [0], [0], [1], [0, 0, 1, 1], [], []>, transpose_lhs_hint = false} : vector<10112x128xf32>, vector<128x128xf32>, vector<10112x128xf32> -> vector<10112x128xf32>
    %swap3A = arith.constant 0 : index
    %swap3A_19 = arith.constant 0 : index
    %swap3A_20 = vector.load %arg3[%swap3A, %swap3A_19] : memref<10112x128xf32, #tpu.memory_space<vmem>>, vector<10112x128xf32>
    tpu.vector_store %arg3[%swap3A, %swap3A_19], %dot_general3A_18 {strides = array<i32>} : memref<10112x128xf32, #tpu.memory_space<vmem>>, vector<10112x128xf32>,
    %mul3A = vector.broadcast %rsqrt3A : vector<10112x1xf32> to vector<10112x128xf32>
    %mul3A_21 = arith.mulf %dot_general3A_18, %mul3A : vector<10112x128xf32>
    %swap3A_22 = arith.constant 0 : index
    %swap3A_23 = arith.constant 0 : index
    %swap3A_24 = vector.load %arg4[%swap3A_22, %swap3A_23] : memref<10112x128xf32, #tpu.memory_space<vmem>>, vector<10112x128xf32>
    tpu.vector_store %arg4[%swap3A_22, %swap3A_23], %mul3A_21 {strides = array<i32>} : memref<10112x128xf32, #tpu.memory_space<vmem>>, vector<10112x128xf32>,
    %swap3A_25 = arith.constant 0 : index
    %swap3A_26 = arith.constant 0 : index
    %swap3A_27 = vector.load %arg5[%swap3A_25, %swap3A_26] : memref<10112x1xf32, #tpu.memory_space<vmem>>, vector<10112x1xf32>
    tpu.vector_store %arg5[%swap3A_25, %swap3A_26], %rsqrt3A {strides = array<i32>} : memref<10112x1xf32, #tpu.memory_space<vmem>>, vector<10112x1xf32>,
    return
  }
}

module attributes {stable_mosaic.version = 14 : i64} {
  func.func @_fin_body(%arg0: memref<2x10112x128xf32, #tpu.memory_space<vmem>>, %arg1: memref<10112x128xf32, #tpu.memory_space<vmem>>, %arg2: memref<10112x1xf32, #tpu.memory_space<vmem>>, %arg3: memref<1x128xf32, #tpu.memory_space<vmem>>, %arg4: memref<1x128xf32, #tpu.memory_space<vmem>>, %arg5: memref<1x128xf32, #tpu.memory_space<vmem>>, %arg6: memref<10000x128xf32, #tpu.memory_space<vmem>>) attributes {dimension_semantics = [], scalar_prefetch = 0 : i64, scratch_operands = 0 : i64, tpu.core_type = #tpu.core_type<tc>} {
    %get3A = arith.constant 0 : index
    %get3A_0 = arith.constant 0 : index
    %get3A_1 = vector.load %arg2[%get3A, %get3A_0] : memref<10112x1xf32, #tpu.memory_space<vmem>>, vector<10112x1xf32>
    %get3A_2 = arith.constant 0 : index
    %get3A_3 = arith.constant 0 : index
    %get3A_4 = arith.constant 0 : index
    %get3A_5 = vector.load %arg0[%get3A_2, %get3A_3, %get3A_4] : memref<2x10112x128xf32, #tpu.memory_space<vmem>>, vector<1x10112x128xf32>
    %get3A_6 = vector.shape_cast %get3A_5 : vector<1x10112x128xf32> to vector<10112x128xf32>
    %get3A_7 = arith.constant 1 : index
    %get3A_8 = arith.constant 0 : index
    %get3A_9 = arith.constant 0 : index
    %get3A_10 = vector.load %arg0[%get3A_7, %get3A_8, %get3A_9] : memref<2x10112x128xf32, #tpu.memory_space<vmem>>, vector<1x10112x128xf32>
    %get3A_11 = vector.shape_cast %get3A_10 : vector<1x10112x128xf32> to vector<10112x128xf32>
    %add3A = arith.addf %get3A_6, %get3A_11 : vector<10112x128xf32>
    %mul3A = vector.broadcast %get3A_1 : vector<10112x1xf32> to vector<10112x128xf32>
    %mul3A_12 = arith.mulf %mul3A, %add3A : vector<10112x128xf32>
    %mul3A_13 = arith.mulf %get3A_1, %get3A_1 : vector<10112x1xf32>
    %get3A_14 = arith.constant 0 : index
    %get3A_15 = arith.constant 0 : index
    %get3A_16 = vector.load %arg1[%get3A_14, %get3A_15] : memref<10112x128xf32, #tpu.memory_space<vmem>>, vector<10112x128xf32>
    %mul3A_17 = vector.broadcast %mul3A_13 : vector<10112x1xf32> to vector<10112x128xf32>
    %mul3A_18 = arith.mulf %mul3A_17, %get3A_16 : vector<10112x128xf32>
    %add3A_19 = arith.addf %mul3A_12, %mul3A_18 : vector<10112x128xf32>
    %get3A_20 = arith.constant 0 : index
    %get3A_21 = arith.constant 0 : index
    %get3A_22 = vector.load %arg3[%get3A_20, %get3A_21] : memref<1x128xf32, #tpu.memory_space<vmem>>, vector<1x128xf32>
    %add3A_23 = vector.broadcast %get3A_22 : vector<1x128xf32> to vector<10112x128xf32>
    %add3A_24 = arith.addf %add3A_19, %add3A_23 : vector<10112x128xf32>
    %slice3A = vector.extract_strided_slice %add3A_24 {offsets = [0, 0], sizes = [10000, 128], strides = [1, 1]} : vector<10112x128xf32> to vector<10000x128xf32>
    %reduce_sum3A = arith.constant dense<0.000000e+00> : vector<128xf32>
    %reduce_sum3A_25 = vector.multi_reduction <add>, %slice3A, %reduce_sum3A [0] : vector<10000x128xf32> to vector<128xf32>
    %broadcast_in_dim3A = vector.shape_cast %reduce_sum3A_25 : vector<128xf32> to vector<1x128xf32>
    %div3A = arith.constant 1.000000e+04 : f32
    %div3A_26 = vector.broadcast %div3A : f32 to vector<1x128xf32>
    %div3A_27 = arith.divf %broadcast_in_dim3A, %div3A_26 : vector<1x128xf32>
    %sub3A = vector.broadcast %div3A_27 : vector<1x128xf32> to vector<10000x128xf32>
    %sub3A_28 = arith.subf %slice3A, %sub3A : vector<10000x128xf32>
    %integer_pow3A = arith.mulf %sub3A_28, %sub3A_28 : vector<10000x128xf32>
    %reduce_sum3A_29 = arith.constant dense<0.000000e+00> : vector<128xf32>
    %reduce_sum3A_30 = vector.multi_reduction <add>, %integer_pow3A, %reduce_sum3A_29 [0] : vector<10000x128xf32> to vector<128xf32>
    %broadcast_in_dim3A_31 = vector.shape_cast %reduce_sum3A_30 : vector<128xf32> to vector<1x128xf32>
    %div3A_32 = arith.constant 1.000000e+04 : f32
    %div3A_33 = vector.broadcast %div3A_32 : f32 to vector<1x128xf32>
    %div3A_34 = arith.divf %broadcast_in_dim3A_31, %div3A_33 : vector<1x128xf32>
    %get3A_35 = arith.constant 0 : index
    %get3A_36 = arith.constant 0 : index
    %get3A_37 = vector.load %arg4[%get3A_35, %get3A_36] : memref<1x128xf32, #tpu.memory_space<vmem>>, vector<1x128xf32>
    %sub3A_38 = vector.broadcast %div3A_27 : vector<1x128xf32> to vector<10000x128xf32>
    %sub3A_39 = arith.subf %slice3A, %sub3A_38 : vector<10000x128xf32>
    %mul3A_40 = vector.broadcast %get3A_37 : vector<1x128xf32> to vector<10000x128xf32>
    %mul3A_41 = arith.mulf %mul3A_40, %sub3A_39 : vector<10000x128xf32>
    %add3A_42 = arith.constant 9.99999974E-6 : f32
    %add3A_43 = vector.broadcast %add3A_42 : f32 to vector<1x128xf32>
    %add3A_44 = arith.addf %div3A_34, %add3A_43 : vector<1x128xf32>
    %rsqrt3A = math.rsqrt %add3A_44 : vector<1x128xf32>
    %mul3A_45 = vector.broadcast %rsqrt3A : vector<1x128xf32> to vector<10000x128xf32>
    %mul3A_46 = arith.mulf %mul3A_41, %mul3A_45 : vector<10000x128xf32>
    %get3A_47 = arith.constant 0 : index
    %get3A_48 = arith.constant 0 : index
    %get3A_49 = vector.load %arg5[%get3A_47, %get3A_48] : memref<1x128xf32, #tpu.memory_space<vmem>>, vector<1x128xf32>
    %add3A_50 = vector.broadcast %get3A_49 : vector<1x128xf32> to vector<10000x128xf32>
    %add3A_51 = arith.addf %mul3A_46, %add3A_50 : vector<10000x128xf32>
    %max3A = arith.constant 0.000000e+00 : f32
    %max3A_52 = vector.broadcast %max3A : f32 to vector<10000x128xf32>
    %max3A_53 = arith.maximumf %add3A_51, %max3A_52 : vector<10000x128xf32>
    %swap3A = arith.constant 0 : index
    %swap3A_54 = arith.constant 0 : index
    %swap3A_55 = vector.load %arg6[%swap3A, %swap3A_54] : memref<10000x128xf32, #tpu.memory_space<vmem>>, vector<10000x128xf32>
    tpu.vector_store %arg6[%swap3A, %swap3A_54], %max3A_53 {strides = array<i32>} : memref<10000x128xf32, #tpu.memory_space<vmem>>, vector<10000x128xf32>,
    return
  }
}

module attributes {stable_mosaic.version = 14 : i64} {
  func.func @_mid_body(%arg0: memref<2x10112x128xf32, #tpu.memory_space<vmem>>, %arg1: memref<10112x128xf32, #tpu.memory_space<vmem>>, %arg2: memref<10112x1xf32, #tpu.memory_space<vmem>>, %arg3: memref<1x128xf32, #tpu.memory_space<vmem>>, %arg4: memref<1x128xf32, #tpu.memory_space<vmem>>, %arg5: memref<1x128xf32, #tpu.memory_space<vmem>>, %arg6: memref<128x128xf32, #tpu.memory_space<vmem>>, %arg7: memref<10112x128xf32, #tpu.memory_space<vmem>>, %arg8: memref<10112x128xf32, #tpu.memory_space<vmem>>) attributes {dimension_semantics = [], scalar_prefetch = 0 : i64, scratch_operands = 0 : i64, tpu.core_type = #tpu.core_type<tc>} {
    %get3A = arith.constant 0 : index
    %get3A_0 = arith.constant 0 : index
    %get3A_1 = vector.load %arg2[%get3A, %get3A_0] : memref<10112x1xf32, #tpu.memory_space<vmem>>, vector<10112x1xf32>
    %get3A_2 = arith.constant 0 : index
    %get3A_3 = arith.constant 0 : index
    %get3A_4 = arith.constant 0 : index
    %get3A_5 = vector.load %arg0[%get3A_2, %get3A_3, %get3A_4] : memref<2x10112x128xf32, #tpu.memory_space<vmem>>, vector<1x10112x128xf32>
    %get3A_6 = vector.shape_cast %get3A_5 : vector<1x10112x128xf32> to vector<10112x128xf32>
    %get3A_7 = arith.constant 1 : index
    %get3A_8 = arith.constant 0 : index
    %get3A_9 = arith.constant 0 : index
    %get3A_10 = vector.load %arg0[%get3A_7, %get3A_8, %get3A_9] : memref<2x10112x128xf32, #tpu.memory_space<vmem>>, vector<1x10112x128xf32>
    %get3A_11 = vector.shape_cast %get3A_10 : vector<1x10112x128xf32> to vector<10112x128xf32>
    %add3A = arith.addf %get3A_6, %get3A_11 : vector<10112x128xf32>
    %mul3A = vector.broadcast %get3A_1 : vector<10112x1xf32> to vector<10112x128xf32>
    %mul3A_12 = arith.mulf %mul3A, %add3A : vector<10112x128xf32>
    %mul3A_13 = arith.mulf %get3A_1, %get3A_1 : vector<10112x1xf32>
    %get3A_14 = arith.constant 0 : index
    %get3A_15 = arith.constant 0 : index
    %get3A_16 = vector.load %arg1[%get3A_14, %get3A_15] : memref<10112x128xf32, #tpu.memory_space<vmem>>, vector<10112x128xf32>
    %mul3A_17 = vector.broadcast %mul3A_13 : vector<10112x1xf32> to vector<10112x128xf32>
    %mul3A_18 = arith.mulf %mul3A_17, %get3A_16 : vector<10112x128xf32>
    %add3A_19 = arith.addf %mul3A_12, %mul3A_18 : vector<10112x128xf32>
    %get3A_20 = arith.constant 0 : index
    %get3A_21 = arith.constant 0 : index
    %get3A_22 = vector.load %arg3[%get3A_20, %get3A_21] : memref<1x128xf32, #tpu.memory_space<vmem>>, vector<1x128xf32>
    %add3A_23 = vector.broadcast %get3A_22 : vector<1x128xf32> to vector<10112x128xf32>
    %add3A_24 = arith.addf %add3A_19, %add3A_23 : vector<10112x128xf32>
    %slice3A = vector.extract_strided_slice %add3A_24 {offsets = [0, 0], sizes = [10000, 128], strides = [1, 1]} : vector<10112x128xf32> to vector<10000x128xf32>
    %reduce_sum3A = arith.constant dense<0.000000e+00> : vector<128xf32>
    %reduce_sum3A_25 = vector.multi_reduction <add>, %slice3A, %reduce_sum3A [0] : vector<10000x128xf32> to vector<128xf32>
    %broadcast_in_dim3A = vector.shape_cast %reduce_sum3A_25 : vector<128xf32> to vector<1x128xf32>
    %div3A = arith.constant 1.000000e+04 : f32
    %div3A_26 = vector.broadcast %div3A : f32 to vector<1x128xf32>
    %div3A_27 = arith.divf %broadcast_in_dim3A, %div3A_26 : vector<1x128xf32>
    %sub3A = vector.broadcast %div3A_27 : vector<1x128xf32> to vector<10000x128xf32>
    %sub3A_28 = arith.subf %slice3A, %sub3A : vector<10000x128xf32>
    %integer_pow3A = arith.mulf %sub3A_28, %sub3A_28 : vector<10000x128xf32>
    %reduce_sum3A_29 = arith.constant dense<0.000000e+00> : vector<128xf32>
    %reduce_sum3A_30 = vector.multi_reduction <add>, %integer_pow3A, %reduce_sum3A_29 [0] : vector<10000x128xf32> to vector<128xf32>
    %broadcast_in_dim3A_31 = vector.shape_cast %reduce_sum3A_30 : vector<128xf32> to vector<1x128xf32>
    %div3A_32 = arith.constant 1.000000e+04 : f32
    %div3A_33 = vector.broadcast %div3A_32 : f32 to vector<1x128xf32>
    %div3A_34 = arith.divf %broadcast_in_dim3A_31, %div3A_33 : vector<1x128xf32>
    %get3A_35 = arith.constant 0 : index
    %get3A_36 = arith.constant 0 : index
    %get3A_37 = vector.load %arg4[%get3A_35, %get3A_36] : memref<1x128xf32, #tpu.memory_space<vmem>>, vector<1x128xf32>
    %sub3A_38 = vector.broadcast %div3A_27 : vector<1x128xf32> to vector<10112x128xf32>
    %sub3A_39 = arith.subf %add3A_24, %sub3A_38 : vector<10112x128xf32>
    %mul3A_40 = vector.broadcast %get3A_37 : vector<1x128xf32> to vector<10112x128xf32>
    %mul3A_41 = arith.mulf %mul3A_40, %sub3A_39 : vector<10112x128xf32>
    %add3A_42 = arith.constant 9.99999974E-6 : f32
    %add3A_43 = vector.broadcast %add3A_42 : f32 to vector<1x128xf32>
    %add3A_44 = arith.addf %div3A_34, %add3A_43 : vector<1x128xf32>
    %rsqrt3A = math.rsqrt %add3A_44 : vector<1x128xf32>
    %mul3A_45 = vector.broadcast %rsqrt3A : vector<1x128xf32> to vector<10112x128xf32>
    %mul3A_46 = arith.mulf %mul3A_41, %mul3A_45 : vector<10112x128xf32>
    %get3A_47 = arith.constant 0 : index
    %get3A_48 = arith.constant 0 : index
    %get3A_49 = vector.load %arg5[%get3A_47, %get3A_48] : memref<1x128xf32, #tpu.memory_space<vmem>>, vector<1x128xf32>
    %add3A_50 = vector.broadcast %get3A_49 : vector<1x128xf32> to vector<10112x128xf32>
    %add3A_51 = arith.addf %mul3A_46, %add3A_50 : vector<10112x128xf32>
    %max3A = arith.constant 0.000000e+00 : f32
    %max3A_52 = vector.broadcast %max3A : f32 to vector<10112x128xf32>
    %max3A_53 = arith.maximumf %add3A_51, %max3A_52 : vector<10112x128xf32>
    %get3A_54 = arith.constant 0 : index
    %get3A_55 = arith.constant 0 : index
    %get3A_56 = vector.load %arg6[%get3A_54, %get3A_55] : memref<128x128xf32, #tpu.memory_space<vmem>>, vector<128x128xf32>
    %dot_general3A = arith.constant dense<0.000000e+00> : vector<10112x128xf32>
    %dot_general3A_57 = tpu.matmul %max3A_53, %get3A_56, %dot_general3A {dimension_numbers = #tpu.dot_dimension_numbers<[1], [0], [0], [1], [0, 0, 1, 1], [], []>, transpose_lhs_hint = false} : vector<10112x128xf32>, vector<128x128xf32>, vector<10112x128xf32> -> vector<10112x128xf32>
    %swap3A = arith.constant 0 : index
    %swap3A_58 = arith.constant 0 : index
    %swap3A_59 = vector.load %arg7[%swap3A, %swap3A_58] : memref<10112x128xf32, #tpu.memory_space<vmem>>, vector<10112x128xf32>
    tpu.vector_store %arg7[%swap3A, %swap3A_58], %dot_general3A_57 {strides = array<i32>} : memref<10112x128xf32, #tpu.memory_space<vmem>>, vector<10112x128xf32>,
    %mul3A_60 = vector.broadcast %get3A_1 : vector<10112x1xf32> to vector<10112x128xf32>
    %mul3A_61 = arith.mulf %dot_general3A_57, %mul3A_60 : vector<10112x128xf32>
    %swap3A_62 = arith.constant 0 : index
    %swap3A_63 = arith.constant 0 : index
    %swap3A_64 = vector.load %arg8[%swap3A_62, %swap3A_63] : memref<10112x128xf32, #tpu.memory_space<vmem>>, vector<10112x128xf32>
    tpu.vector_store %arg8[%swap3A_62, %swap3A_63], %mul3A_61 {strides = array<i32>} : memref<10112x128xf32, #tpu.memory_space<vmem>>, vector<10112x128xf32>,
    return
  }
}

</mosaic_0001>

<sc_bundles>
// kernel: kernel.11.cloned.1.call-start
scs
__scs_entry_jumppad:
0x0: {  	(pc) =	sbr.rel $0x88, $3  }
0x1: {  	(tag) =	ssettag $0x0;
	lr =	simm.s32 $0x1  }
0x2: {  	[smem:$0x3F97] =	sst lr;
	_ =	strace $0xD0000000  }
0x3: {  	_ = 	snop  }
0x4: {  	_ = 	snop  }
0x5: {  	_ = 	snop  }
0x6: {  	_ = 	snop  }
0x7: {  	_ = 	snop  }
__scs_overlays_trampoline_lowered:
0x8: {  	[smem:$0x3FA6] =	sst s0  }
0x9: {  	[smem:$0x3FA7] =	sst s1  }
0xa: {  	[smem:$0x3FA8] =	sst s2  }
0xb: {  	[smem:$0x3FA9] =	sst s3  }
0xc: {  	[smem:$0x3FAA] =	sst s4  }
0xd: {  	[smem:$0x3FAB] =	sst s5  }
0xe: {  	[smem:$0x3FAC] =	sst s6  }
0xf: {  	[smem:$0x3FAD] =	sst s7  }
0x10: {  	[smem:$0x3FAE] =	sst s8  }
0x11: {  	[smem:$0x3FAF] =	sst s9;
	s0 =	simm.s32 @!p0 $0x0  }
0x12: {  	s1 =	sld [smem:$0x3F95];
	s0 =	simm.s32 @p0 $0x1  }
0x13: {  	[smem:$0x3FB0] =	sst s0;
	s0 =	simm.s32 @!p1 $0x0  }
0x14: {  	s2 =	sld [smem:$0x3F94];
	s0 =	simm.s32 @p1 $0x1  }
0x15: {  	[smem:$0x3FB1] =	sst s0;
	s0 =	simm.s32 @!p2 $0x0  }
0x16: {  	s3 =	sld [smem:$0x3FDB];
	s0 =	simm.s32 @p2 $0x1  }
0x17: {  	s4 =	simm.s32 $0x1BF5;
	[smem:$0x3FB3] =	sst s0  }
0x18: {  	s0 =	sld [smem:$0x3F96];
	_ =	swait.ge [sflag:s4], $0x0  }
0x19: {  	s7 =	sld [smem:$0x3F97]  }
0x1a: {  	s8 =	sadd.s32 $0xFFFFE003, lr  }
0x1b: {  	s9 =	sadd.s32 $0xFFFFFEF7, lr;
	s5 =	simm.s32 $0xFFFFFFFF;
	p2 =	slt.u32 s8, $0xFFFFF086  }
0x1c: {  	p1 =	slt.u32 s9, $0xF7A;
	s5 =	simm.s32 @!p2 $0x0  }
0x1d: {  	s5 =	simm.s32 @p1 $0x1;
	p0 =	seq.s32 s7, s2  }
0x1e: {  	s7 =	smul.u32 @!p0 $0xF7A, s2;
	p2 =	seq.s32 @!p0 s5, $0x0  }
0x1f: {  	s9 =	smul.u32 $0xF7A, s1;
	s8 =	simm.s32 @!p0 $0x1BF5;
	p2 =	por !p2, p0  }
0x20: {  	[sflag:s8] =	ssyncset.s32 @!p0 $0xFFFFF086;
	s6 =	sadd.s32 @!p0 s3, s7;
	s7 =	simm.s32 @!p0 $0x108  }
0x21: {  	s3 =	sadd.s32 s3, s9;
	s6 =	sadd.s32 @!p0 $0x88, s6;
	s7 =	simm.s32 @p2 $0x1082  }
0x22: {  	[simem:s7], [sflag:s8] =	dma.local @!p0 [hbm:s6], $0xF7A  }
0x23: {  	s9 =	sor.u32 $0xD0000000, s2;
	s6 =	simm.s32 $0x108;
	_ =	swait.ge @!p0 [sflag:s8], $0x0  }
0x24: {  	s3 =	sadd.s32 $0x88, s3;
	s6 =	simm.s32 @!p1 $0x1082;
	[sflag:s4] =	ssyncset.s32 $0xFFFFF086  }
0x25: {  	[simem:s6], [sflag:s4] =	dma.local [hbm:s3], $0xF7A  }
0x26: {  	[smem:$0x3F97] =	sst s1;
	(tag) =	ssettag s2;
	_ =	strace s9  }
0x27: {  	s1 =	sld [smem:$0x3FA7]  }
0x28: {  	s2 =	sld [smem:$0x3FA8]  }
0x29: {  	s4 =	sld [smem:$0x3FAA]  }
0x2a: {  	p0 =	seq.s32 s5, $0x0;
	s5 =	sld [smem:$0x3FAB]  }
0x2b: {  	s6 =	sld [smem:$0x3FAC]  }
0x2c: {  	s7 =	sld [smem:$0x3FAD]  }
0x2d: {  	s3 =	simm.s32 $0x108;
	s8 =	sld [smem:$0x3FAE]  }
0x2e: {  	s3 =	simm.s32 @!p0 $0x1082;
	s9 =	sld [smem:$0x3FAF]  }
0x2f: {  	lr =	sadd.s32 s0, s3;
	s0 =	sld [smem:$0x3FA6]  }
0x30: {  	s3 =	sld [smem:$0x3FA9]  }
0x31: {  	[smem:$0x3FB2] =	sst s10  }
0x32: {  	s10 =	sld [smem:$0x3FB0];
	_ =	sdelay $0x3  }
0x33: {  	p0 =	seq.s32 s10, $0x1;
	s10 =	sld [smem:$0x3FB2];
	_ =	sdelay $0x3  }
0x34: {  	[smem:$0x3FB2] =	sst s10  }
0x35: {  	s10 =	sld [smem:$0x3FB1];
	_ =	sdelay $0x3  }
0x36: {  	p1 =	seq.s32 s10, $0x1;
	s10 =	sld [smem:$0x3FB2];
	_ =	sdelay $0x3  }
0x37: {  	[smem:$0x3FB2] =	sst s10  }
0x38: {  	s10 =	sld [smem:$0x3FB3]  }
0x39: {  	_ = 	snop;
	(pc) =	sbr.ind lr, $3  }
0x3a: {  	_ = 	snop  }
0x3b: {  	_ = 	snop  }
0x3c: {  	p2 =	seq.s32 s10, $0x1;
	s10 =	sld [smem:$0x3FB2]  }
0x3d: {  	_ =	shalt  }
0x3e: {  	_ =	shalt  }
0x3f: {  	_ =	shalt  }
0x40: {  	_ =	shalt  }
0x41: {  	_ =	shalt  }
0x42: {  	_ =	shalt  }
0x43: {  	_ =	shalt  }
0x44: {  	_ =	shalt  }
0x45: {  	_ =	shalt  }
0x46: {  	_ =	shalt  }
0x47: {  	_ =	shalt  }
0x48: {  	_ =	shalt  }
0x49: {  	_ =	shalt  }
0x4a: {  	_ =	shalt  }
0x4b: {  	_ =	shalt  }
0x4c: {  	_ =	shalt  }
0x4d: {  	_ =	shalt  }
0x4e: {  	_ =	shalt  }
0x4f: {  	_ =	shalt  }
0x50: {  	_ =	shalt  }
0x51: {  	_ =	shalt  }
0x52: {  	_ =	shalt  }
0x53: {  	_ =	shalt  }
0x54: {  	_ =	shalt  }
0x55: {  	_ =	shalt  }
0x56: {  	_ =	shalt  }
0x57: {  	_ =	shalt  }
0x58: {  	_ =	shalt  }
0x59: {  	_ =	shalt  }
0x5a: {  	_ =	shalt  }
0x5b: {  	_ =	shalt  }
0x5c: {  	_ =	shalt  }
0x5d: {  	_ =	shalt  }
0x5e: {  	_ =	shalt  }
0x5f: {  	_ =	shalt  }
0x60: {  	_ =	shalt  }
0x61: {  	_ =	shalt  }
0x62: {  	_ =	shalt  }
0x63: {  	_ =	shalt  }
0x64: {  	_ =	shalt  }
0x65: {  	_ =	shalt  }
0x66: {  	_ =	shalt  }
0x67: {  	_ =	shalt  }
0x68: {  	_ =	shalt  }
0x69: {  	_ =	shalt  }
0x6a: {  	_ =	shalt  }
0x6b: {  	_ =	shalt  }
0x6c: {  	_ =	shalt  }
0x6d: {  	_ =	shalt  }
0x6e: {  	_ =	shalt  }
0x6f: {  	_ =	shalt  }
0x70: {  	_ =	shalt  }
0x71: {  	_ =	shalt  }
0x72: {  	_ =	shalt  }
0x73: {  	_ =	shalt  }
0x74: {  	_ =	shalt  }
0x75: {  	_ =	shalt  }
0x76: {  	_ =	shalt  }
0x77: {  	_ =	shalt  }
0x78: {  	_ =	shalt  }
0x79: {  	_ =	shalt  }
0x7a: {  	_ =	shalt  }
0x7b: {  	_ =	shalt  }
0x7c: {  	_ =	shalt  }
0x7d: {  	_ =	shalt  }
0x7e: {  	_ =	shalt  }
0x7f: {  	_ =	shalt  }
0x80: {  	_ =	shalt  }
0x81: {  	_ =	shalt  }
0x82: {  	_ =	shalt  }
0x83: {  	_ =	shalt  }
0x84: {  	_ =	shalt  }
0x85: {  	_ =	shalt  }
0x86: {  	_ =	shalt  }
0x87: {  	_ =	shalt  }
.Lfunc_end0:
.L_simem_size_0:
called_computation.1_lowered:
.L_overlay_start_0:
0x88: {  	s2 =	sld [smem:$0x3FD9]  }
0x89: {  	s3 =	sld [smem:$0x3FFE];
	_ =	sdelay $0x1  }
0x8a: {  	s1 =	srdreg.scid  }
0x8b: {  	s0 =	sand.u32 $0x1, s1  }
0x8c: {  	s17 =	sshll.u32 s0, $0xA;
	s2 =	sadd.s32 s3, s2  }
0x8d: {  	s2 =	sadd.s32 s2, s17  }
0x8e: {  	[smem:$0x3FBE] =	sst s2  }
0x8f: {  	_ = 	snop  }
0x90: {  	s2 =	sld [smem:$0x3FD0];
	(tm) =	ssettm $0x1  }
0x91: {  	s18 =	sld [smem:$0x3FFB];
	_ =	sdelay $0x3  }
0x92: {  	_ =	strace s18  }
0x93: {  	s3 =	sld [smem:$0x3FFC];
	_ =	sdelay $0x3  }
0x94: {  	_ =	strace s3  }
0x95: {  	s3 =	sld [smem:$0x3FFD];
	_ =	sdelay $0x3  }
0x96: {  	_ =	strace s3  }
0x97: {  	_ =	strace $0x8FFFFFFF  }
0x98: {  	s19 =	sld [smem:$0x3FDB];
	_ =	sdelay $0x1  }
0x99: {  	s4 =	simm.s32 $_scs_section_size  }
0x9a: {  	s5 =	simm.s32 $_size__tile_overlayer_lowered;
	s6 =	simm.s32 $_tile_overlayer_lowered  }
0x9b: {  	s22 =	simm.s32 $0x1BFF;
	s21 =	sshll.u32 s6, $0x1;
	s3 =	sadd.s32 s4, s19  }
0x9c: {  	s7 =	simm.s32 $0x0;
	s20 =	sshll.u32 s5, $0x1;
	s5 =	sadd.s32 s21, s3  }
0x9d: {  	[timem:s7], [sflag:s22] =	dma.local [hbm:s5], s20  }
0x9e: {  	_ =	swait.ge [sflag:s22], s20  }
0x9f: {  	s4 =	ssub.s32 $0x0, s20;
	[sflag:s22] =	ssyncset.done $0x0  }
0xa0: {  	[sflag:s22] =	ssyncadd.s32 s4;
	_ =	sdelay $0x1  }
0xa1: {  	s23 =	simm.s32 $0x1B8B  }
0xa2: {  	_ =	swait.ge [sflag:s23], $0x1  }
0xa3: {  	[sflag:s23] =	ssyncset.done $0x0  }
0xa4: {  	s25 =	simm.s32 $0x1B8E;
	s24 =	sld [smem:$0x3FFE];
	[sflag:s23] =	ssyncadd.s32 $0xFFFFFFFF  }
0xa5: {  	s26 =	simm.s32 $execute0_lowered;
	[smem:$0x3FD2] =	sst s25  }
0xa6: {  	s5 =	sshll.u32 s26, $0x1;
	_ =	strace $0x80000049;
	[dreg:$0x1] =	wrdreg $0xFFFFFFFF  }
0xa7: {  	s28 =	simm.s32 $_size_execute0_lowered;
	s3 =	sadd.s32 s3, s5;
	[dreg:$0x0] =	wrdreg $0x0  }
0xa8: {  	s5 =	sshll.u32 s28, $0x1;
	[dreg:$0x2] =	wrdreg s3  }
0xa9: {  	[dreg:$0x3] =	wrdreg s5  }
0xaa: {  	[dreg:$0x4] =	wrdreg $0xC0  }
0xab: {  	_ =	task [dreg:s7], $0x5FFFF  }
0xac: {  	[dreg:$0x1] =	wrdreg $0xFFFFFFFF  }
0xad: {  	[dreg:$0x0] =	wrdreg $0x60  }
0xae: {  	[dreg:$0x2] =	wrdreg s24  }
0xaf: {  	[dreg:$0x3] =	wrdreg s2  }
0xb0: {  	[dreg:$0x4] =	wrdreg $0xC3000  }
0xb1: {  	[dreg:$0x5] =	wrdreg $0x9  }
0xb2: {  	_ =	task.clear_ibuf [dreg:s7], $0x6FFFF;
	_ =	strace $0x90000049  }
0xb3: {  	s29 =	simm.s32 $0x9;
	_ =	strace $0x8000004B  }
0xb4: {  	_ =	swait.ge [sflag:s29], $0x1  }
0xb5: {  	[sflag:s29] =	ssyncadd.s32 $0xFFFFFFFF  }
0xb6: {  	_ =	strace $0x9000004B  }
0xb7: {  	_ =	sfence  }
0xb8: {  	s30 =	sld [smem:$0x0];
	_ =	sdelay $0x2  }
0xb9: {  	s31 =	sshll.u32 s1, $0xD;
	s1 =	sshrl.u32 s1, $0x2  }
0xba: {  	s3 =	sand.u32 $0x4000, s31;
	s1 =	sadd.s32 s1, s30  }
0xbb: {  	s0 =	sor.u32 s3, s0;
	s1 =	sshll.u32 s1, $0x11  }
0xbc: {  	s0 =	sor.u32 s1, s0  }
0xbd: {  	s0 =	sadd.s32 $0x8F2B, s0  }
0xbe: {  	[sflag:s0] =	ssyncadd.remote.s32 $0x1  }
0xbf: {  	_ =	sfence.sel $0xFFFF  }
0xc0: {  	[dreg:$0x0] =	wrdreg $0xFFFFFFFF;
	(pc) =	sbr.abs _section_cstart, $3  }
0xc1: {  	[dreg:$0x1] =	wrdreg $0xFFFFFFFF  }
0xc2: {  	_ =	task.clear_ibuf [dreg:s7], $0x2FFFF;
	_ =	strace $0x9FFFFFFF  }
0xc3: {  	(tm) =	ssettm $0x7FFFFFFF  }
tec
execute0_lowered:
.L_overlay_start_1:
0x0: {  	(tag) =	ssettag $0x1  }
0x1: {  	s0 =	rddreg [dreg:$0x0]  }
0x2: {  	s2 =	rddreg [dreg:$0x1]  }
0x3: {  	s3 =	rddreg [dreg:$0x2]  }
0x4: {  	s12 =	stileid.u32;
	s1 =	srdreg.scid;
	s4 =	simm.s32 $0x0  }
0x5: {  	s28 =	simm.s32 $0x100;
	s29 =	simm.s32 $0x280;
	s7 =	smul.u32 $0x13C00, s12  }
0x6: {  	s31 =	simm.s32 $0x300;
	s1 =	sand.u32 $0x1, s1;
	s13 =	smul.u32 $0x4F000, s12  }
0x7: {  	[smem:$0x7FF] =	sst s4;
	s5 =	sadd.s32 $0x2A600, s0;
	s18 =	smul.u32 $0x2880, s12  }
0x8: {  	s6 =	sadd.s32 $0x79600, s0;
	s16 =	sshll.u32 s12, $0x6;
	s8 =	smul.u32 $0x13C000, s1  }
0x9: {  	_ =	strace $0x8000004A;
	s10 =	sshll.u32 s1, $0x4;
	s14 =	ssub.s32 $0x2, s1  }
0xa: {  	s1 =	smul.u32 $0x28800, s1;
	s9 =	sshrl.u32 s7, $0x3;
	s10 =	sor.u32 s12, s10  }
0xb: {  	s11 =	sshrl.u32 s14, $0x1;
	s12 =	simm.s32 $0x5;
	s9 =	sadd.s32 s9, s0  }
0xc: {  	s7 =	sadd.s32 s7, s8;
	s8 =	sshrl.u32 s13, $0x2;
	s10 =	smul.u32 $0x2880, s10  }
0xd: {  	s1 =	sadd.s32 s18, s1;
	s13 =	simm.s32 $0x6;
	s7 =	sshrl.u32 s7, $0x3  }
0xe: {  	s8 =	sadd.s32 s8, s3;
	s15 =	sadd.s32 $0x2E00, s9;
	s9 =	sor.u32 $0x1C0A, s16  }
0xf: {  	s23 =	sadd.s32 $0x280, s1;
	s25 =	sadd.s32 $0x200, s1;
	s30 =	sadd.s32 $0x180, s1  }
0x10: {  	s1 =	simm.s32 $0x4300;
	s0 =	sadd.s32 s7, s0;
	[dreg:$0x4] =	wrdreg s8  }
0x11: {  	s7 =	ssub.s32 s14, s11;
	[dreg:$0x5] =	wrdreg s15;
	s10 =	sshrl.u32 s10, $0x3  }
0x12: {  	s24 =	sshrl.u32 s23, $0x3;
	s26 =	sshrl.u32 s25, $0x3;
	[dreg:$0xf] =	wrdreg s30  }
0x13: {  	s23 =	simm.s32 $0xA;
	s25 =	simm.s32 $0x80;
	s11 =	simm.s32 $0x4  }
0x14: {  	s14 =	simm.s32 $0x0;
	[dreg:$0x6] =	wrdreg s9;
	s19 =	sadd.s32 s6, s10  }
0x15: {  	s17 =	sadd.s32 $0x10, s10;
	s20 =	sadd.s32 s2, s10;
	[dreg:$0x7] =	wrdreg s19  }
0x16: {  	s22 =	sadd.s32 $0x20, s10;
	s0 =	sadd.s32 $0x83800, s0;
	[dreg:$0x8] =	wrdreg s20  }
0x17: {  	s7 =	smax.u32 s7, $0x1;
	s18 =	sadd.s32 s24, s2;
	[dreg:$0xd] =	wrdreg s0  }
0x18: {  	s21 =	sadd.s32 s6, s17;
	s8 =	sadd.s32 s2, s17;
	[dreg:$0xe] =	wrdreg s7  }
.Ltmp0:
0x19: {  	s10 =	sadd.s32 s6, s22;
	[dreg:$0x9] =	wrdreg s21;
	(pc) =	sbr.rel .LBB2_1-.Ltmp0, $4  }
0x1a: {  	s19 =	sadd.s32 s24, s6;
	s20 =	sadd.s32 s26, s2;
	[dreg:$0xa] =	wrdreg s8  }
0x1b: {  	s24 =	simm.s32 $0x180;
	s7 =	simm.s32 $0x7;
	[dreg:$0xb] =	wrdreg s10  }
0x1c: {  	s8 =	sadd.s32 s2, s22;
	s21 =	sadd.s32 s26, s6;
	s26 =	simm.s32 $0x200  }
0x1d: {  	s10 =	simm.s32 $0x8300;
	[dreg:$0xc] =	wrdreg s8;
	s8 =	simm.s32 $0x3  }
.LBB2_4:
0x1e: {  	[bflag:$0x0] =	sbarrier.arrive $0xFFFF  }
0x1f: {  	s9 =	rddreg [dreg:$0x6]  }
0x20: {  	s0 =	rddreg [dreg:$0xd]  }
0x21: {  	[hbm:s0], [sflag:s9] =	dma.local [spmem:s15], $0x2780  }
0x22: {  	_ =	swait.ge [sflag:s23], $0x2780  }
0x23: {  	s14 =	sadd.s32 $0x1, s14;
	s30 =	rddreg [dreg:$0xe]  }
0x24: {  	p0 =	sne.s32 s14, s30  }
.Ltmp1:
0x25: {  	_ = 	snop;
	(pc) =	sbr.rel @!p0 .LBB2_5-.Ltmp1, $3  }
0x26: {  	_ =	sdelay $0x1  }
0x27: {  	[sflag:s23] =	ssyncset.done $0x0  }
0x28: {  	[sflag:s23] =	ssyncadd.s32 $0xFFFFD880  }
.LBB2_1:
0x29: {  	s0 =	rddreg [dreg:$0x4]  }
0x2a: {  	s16 =	rddreg [dreg:$0x5];
	s15 =	sshrl.u32 s0, $0x3  }
0x2b: {  	[spmem:s15], [sflag:s9] =	dma.local [hbm:s16], $0x2780  }
0x2c: {  	_ =	swait.ge [sflag:s23], $0x2780  }
0x2d: {  	[sflag:s23] =	ssyncset.done $0x0  }
0x2e: {  	[sflag:s23] =	ssyncadd.s32 $0xFFFFD880  }
0x2f: {  	[bflag:$0x0] =	sbarrier.arrive $0xFFFF  }
0x30: {  	s17 =	rddreg [dreg:$0x7]  }
0x31: {  	[tilespmem:s4], [sflag:$0x1] =	stream.linear.gather [hbm4b:s17+s4], $0x80, $0x38;
	[tilespmem:$0x1FF00] =	vst v63  }
0x32: {  	s22 =	rddreg [dreg:$0x8]  }
0x33: {  	[tilespmem:s24], [sflag:$0x4] =	stream.linear.gather [hbm4b:s22+s4], $0x80, $0x38;
	[tilespmem:$0x1FF00] =	vst v63  }
0x34: {  	s30 =	rddreg [dreg:$0x9]  }
0x35: {  	[tilespmem:s25], [sflag:$0x2] =	stream.linear.gather [hbm4b:s30+s4], $0x80, $0x38;
	[tilespmem:$0x1FF00] =	vst v63  }
0x36: {  	s9 =	rddreg [dreg:$0xa]  }
0x37: {  	[tilespmem:s26], [sflag:$0x5] =	stream.linear.gather [hbm4b:s9+s4], $0x80, $0x38;
	[tilespmem:$0x1FF00] =	vst v63  }
0x38: {  	s16 =	rddreg [dreg:$0xb]  }
0x39: {  	[tilespmem:s28], [sflag:$0x3] =	stream.linear.gather [hbm4b:s16+s4], $0x80, $0x38;
	[tilespmem:$0x1FF00] =	vst v63  }
0x3a: {  	s17 =	rddreg [dreg:$0xc];
	s22 =	simm.s32 $0x1  }
0x3b: {  	[tilespmem:s29], [sflag:$0x6] =	stream.linear.gather [hbm4b:s17+s4], $0x80, $0x38;
	[tilespmem:$0x1FF00] =	vst v63  }
0x3c: {  	_ =	swait.ge [sflag:s22], $0x80  }
0x3d: {  	[sflag:s22] =	ssyncset.done $0x0  }
0x3e: {  	s30 =	simm.s32 $0x2;
	[sflag:s22] =	ssyncadd.s32 $0xFFFFFF80  }
0x3f: {  	[tilespmem:s31], [sflag:$0x7] =	stream.indirect.gather [hbm4b:s5+s25], $0x80, s4, s25, $0xb8;
	[tilespmem:$0x1FF00] =	vst v63  }
0x40: {  	_ =	swait.ge [sflag:s30], $0x80  }
0x41: {  	[sflag:s30] =	ssyncset.done $0x0  }
0x42: {  	s17 =	simm.s32 $0x0;
	s22 =	rddreg [dreg:$0xf];
	[sflag:s30] =	ssyncadd.s32 $0xFFFFFF80  }
0x43: {  	[tilespmem:s1], [sflag:$0x8] =	stream.indirect.gather [hbm4b:s5+s25], $0x80, s25, s25, $0xb8;
	[tilespmem:$0x1FF00] =	vst v63  }
.LBB2_2:
0x44: {  	_ =	swait.ge [sflag:s7], $0x4000  }
0x45: {  	[sflag:s7] =	ssyncset.done $0x0  }
0x46: {  	[sflag:s7] =	ssyncadd.s32 $0xFFFFC000  }
0x47: {  	_ =	swait.ge [sflag:s8], $0x80  }
0x48: {  	[sflag:s8] =	ssyncset.done $0x0  }
0x49: {  	[sflag:s8] =	ssyncadd.s32 $0xFFFFFF80  }
0x4a: {  	[tilespmem:s10], [sflag:$0x9] =	stream.indirect.gather [hbm4b:s5+s25], $0x80, s28, s25, $0xb8;
	[tilespmem:$0x1FF00] =	vst v63  }
0x4b: {  	_ =	swait.ge [sflag:s11], $0x80  }
0x4c: {  	[sflag:s11] =	ssyncset.done $0x0  }
0x4d: {  	[sflag:s11] =	ssyncadd.s32 $0xFFFFFF80  }
0x4e: {  	[spmem:s3] =	stream.indirect.scatter.add.f32 [tilespmem:s31], [sflag:$0xA], $0x80, s24, s25, $0xb8;
	[tilespmem:$0x1FF00] =	vst v63  }
0x4f: {  	_ =	swait.ge [sflag:s23], $0x4000  }
0x50: {  	p0 =	seq.s32 s17, $0x4E0;
	[sflag:s23] =	ssyncset.done $0x0  }
0x51: {  	s16 =	simm.s32 @p0 $0x8;
	[sflag:s23] =	ssyncadd.s32 $0xFFFFC000  }
0x52: {  	_ =	swait.ge @p0 [sflag:s16], $0x4000  }
0x53: {  	s30 =	sshrl.u32 @!p0 s22, $0x3;
	[sflag:s16] =	ssyncset.done @p0 $0x0  }
0x54: {  	s0 =	simm.s32 @!p0 $0x0;
	[sflag:s16] =	ssyncadd.s32 @p0 $0xFFFFC000;
	s16 =	sadd.s32 @!p0 s6, s30  }
0x55: {  	[tilespmem:s0], [sflag:$0x1] =	stream.linear.gather @!p0 [hbm4b:s16+s0], $0x80, $0x38;
	[tilespmem:$0x1FF00] =	vst v63  }
0x56: {  	s16 =	sadd.s32 @!p0 s2, s30;
	s30 =	simm.s32 @!p0 $0x180  }
0x57: {  	[tilespmem:s30], [sflag:$0x4] =	stream.linear.gather @!p0 [hbm4b:s16+s0], $0x80, $0x38;
	[tilespmem:$0x1FF00] =	vst v63  }
0x58: {  	s16 =	simm.s32 @!p0 $0x8  }
0x59: {  	_ =	swait.ge @!p0 [sflag:s16], $0x4000  }
0x5a: {  	[sflag:s16] =	ssyncset.done @!p0 $0x0  }
0x5b: {  	[sflag:s16] =	ssyncadd.s32 @!p0 $0xFFFFC000;
	s16 =	simm.s32 @!p0 $0x1  }
0x5c: {  	_ =	swait.ge @!p0 [sflag:s16], $0x80  }
0x5d: {  	[sflag:s16] =	ssyncset.done @!p0 $0x0  }
0x5e: {  	s30 =	simm.s32 @!p0 $0x300;
	[sflag:s16] =	ssyncadd.s32 @!p0 $0xFFFFFF80;
	s16 =	simm.s32 @!p0 $0x80  }
0x5f: {  	[tilespmem:s30], [sflag:$0x7] =	stream.indirect.gather @!p0 [hbm4b:s5+s16], $0x80, s0, s16, $0xb8;
	[tilespmem:$0x1FF00] =	vst v63  }
0x60: {  	_ =	swait.ge [sflag:s12], $0x80  }
0x61: {  	[sflag:s12] =	ssyncset.done $0x0  }
0x62: {  	[sflag:s12] =	ssyncadd.s32 $0xFFFFFF80  }
0x63: {  	[spmem:s3] =	stream.indirect.scatter.add.f32 [tilespmem:s1], [sflag:$0xA], $0x80, s26, s25, $0xb8;
	[tilespmem:$0x1FF00] =	vst v63  }
0x64: {  	_ =	swait.ge [sflag:s23], $0x4000  }
0x65: {  	[sflag:s23] =	ssyncset.done $0x0  }
0x66: {  	s30 =	simm.s32 @p0 $0x9;
	[sflag:s23] =	ssyncadd.s32 $0xFFFFC000  }
0x67: {  	_ =	swait.ge @p0 [sflag:s30], $0x4000  }
0x68: {  	[sflag:s30] =	ssyncset.done @p0 $0x0  }
0x69: {  	[sflag:s30] =	ssyncadd.s32 @p0 $0xFFFFC000;
	s30 =	sadd.s32 @!p0 s17, s21  }
0x6a: {  	[tilespmem:s16], [sflag:$0x2] =	stream.linear.gather @!p0 [hbm4b:s30+s0], $0x80, $0x38;
	[tilespmem:$0x1FF00] =	vst v63  }
0x6b: {  	s9 =	simm.s32 @!p0 $0x200;
	s30 =	sadd.s32 @!p0 s17, s20  }
0x6c: {  	[tilespmem:s9], [sflag:$0x5] =	stream.linear.gather @!p0 [hbm4b:s30+s0], $0x80, $0x38;
	[tilespmem:$0x1FF00] =	vst v63  }
0x6d: {  	s0 =	simm.s32 @!p0 $0x9  }
0x6e: {  	_ =	swait.ge @!p0 [sflag:s0], $0x4000  }
0x6f: {  	[sflag:s0] =	ssyncset.done @!p0 $0x0  }
0x70: {  	[sflag:s0] =	ssyncadd.s32 @!p0 $0xFFFFC000;
	s0 =	simm.s32 @!p0 $0x2  }
0x71: {  	_ =	swait.ge @!p0 [sflag:s0], $0x80  }
0x72: {  	[sflag:s0] =	ssyncset.done @!p0 $0x0  }
0x73: {  	[sflag:s0] =	ssyncadd.s32 @!p0 $0xFFFFFF80;
	s0 =	simm.s32 @!p0 $0x4300  }
0x74: {  	[tilespmem:s0], [sflag:$0x8] =	stream.indirect.gather @!p0 [hbm4b:s5+s16], $0x80, s16, s16, $0xb8;
	[tilespmem:$0x1FF00] =	vst v63  }
0x75: {  	_ =	swait.ge [sflag:s13], $0x80  }
0x76: {  	[sflag:s13] =	ssyncset.done $0x0  }
.Ltmp2:
0x77: {  	[sflag:s13] =	ssyncadd.s32 $0xFFFFFF80;
	(pc) =	sbr.rel @p0 .LBB2_4-.Ltmp2, $4  }
0x78: {  	[spmem:s3] =	stream.indirect.scatter.add.f32 [tilespmem:s10], [sflag:$0xA], $0x80, s29, s25, $0xb8;
	[tilespmem:$0x1FF00] =	vst v63  }
0x79: {  	_ =	swait.ge [sflag:s23], $0x4000  }
0x7a: {  	[sflag:s23] =	ssyncset.done $0x0  }
0x7b: {  	[sflag:s23] =	ssyncadd.s32 $0xFFFFC000  }
.Ltmp3:
0x7c: {  	(pc) =	sbr.rel .LBB2_2-.Ltmp3, $4  }
0x7d: {  	s0 =	sadd.s32 s17, s19  }
0x7e: {  	[tilespmem:s28], [sflag:$0x3] =	stream.linear.gather [hbm4b:s0+s4], $0x80, $0x38;
	[tilespmem:$0x1FF00] =	vst v63  }
0x7f: {  	s30 =	sadd.s32 s17, s18;
	s17 =	sadd.s32 $0x30, s17;
	s22 =	sadd.s32 $0x180, s22  }
0x80: {  	[tilespmem:s29], [sflag:$0x6] =	stream.linear.gather [hbm4b:s30+s4], $0x80, $0x38;
	[tilespmem:$0x1FF00] =	vst v63  }
.LBB2_5:
0x81: {  	_ =	sfence.sel $0x180000  }
0x82: {  	[bflag:$0x0] =	sbarrier.arrive $0xFFFF  }
0x83: {  	_ =	strace $0x9000004A  }
0x84: {  	s0 =	stileid.u32;
	[bflag:$0x2] =	sbarrier.arrive $0xFFFF  }
0x85: {  	p0 =	sne.s32 s0, $0x0;
	s0 =	rddreg [dreg:$0x3]  }
0x86: {  	s0 =	sadd.s32 @!p0 $0x100000, s0  }
0x87: {  	[sflag:s0] =	ssyncadd.tile.s32 @!p0 $0x1;
	_ =	shalt  }
.Lfunc_end2:
_tile_overlayer_lowered:
.L_overlay_start_2:
0x88: {  	(tag) =	ssettag $0x2  }
0x89: {  	s0 =	rddreg [dreg:$0x0];
	s2 =	stileid.u32  }
0x8a: {  	s1 =	rddreg [dreg:$0x1];
	p0 =	sne.s32 s2, $0x0  }
0x8b: {  	s3 =	rddreg [dreg:$0x2];
	[bflag:$0x3] =	sbarrier.arrive $0xFFFF;
	s2 =	simm.s32 @!p0 $0x1C0A  }
0x8c: {  	[timem:s3], [sflag:s2] =	dma.local @!p0 [hbm:s0], s1  }
0x8d: {  	s0 =	simm.s32 @!p0 $0xA  }
0x8e: {  	_ =	swait.ge @!p0 [sflag:s0], s1  }
0x8f: {  	s1 =	ssub.s32 @!p0 $0x0, s1;
	[sflag:s0] =	ssyncset.done @!p0 $0x0  }
0x90: {  	[sflag:s0] =	ssyncadd.s32 @!p0 s1  }
0x91: {  	[bflag:$0x3] =	sbarrier.arrive $0xFFFF  }
0x92: {  	_ =	shalt  }

// kernel: kernel.14.cloned.1.call-start
scs
__scs_entry_jumppad:
0x0: {  	(pc) =	sbr.rel $0x88, $3  }
0x1: {  	(tag) =	ssettag $0x0;
	lr =	simm.s32 $0x1  }
0x2: {  	[smem:$0x3F97] =	sst lr;
	_ =	strace $0xD0000000  }
0x3: {  	_ = 	snop  }
0x4: {  	_ = 	snop  }
0x5: {  	_ = 	snop  }
0x6: {  	_ = 	snop  }
0x7: {  	_ = 	snop  }
__scs_overlays_trampoline_lowered:
0x8: {  	[smem:$0x3FA6] =	sst s0  }
0x9: {  	[smem:$0x3FA7] =	sst s1  }
0xa: {  	[smem:$0x3FA8] =	sst s2  }
0xb: {  	[smem:$0x3FA9] =	sst s3  }
0xc: {  	[smem:$0x3FAA] =	sst s4  }
0xd: {  	[smem:$0x3FAB] =	sst s5  }
0xe: {  	[smem:$0x3FAC] =	sst s6  }
0xf: {  	[smem:$0x3FAD] =	sst s7  }
0x10: {  	[smem:$0x3FAE] =	sst s8  }
0x11: {  	[smem:$0x3FAF] =	sst s9;
	s0 =	simm.s32 @!p0 $0x0  }
0x12: {  	s1 =	sld [smem:$0x3F95];
	s0 =	simm.s32 @p0 $0x1  }
0x13: {  	[smem:$0x3FB0] =	sst s0;
	s0 =	simm.s32 @!p1 $0x0  }
0x14: {  	s2 =	sld [smem:$0x3F94];
	s0 =	simm.s32 @p1 $0x1  }
0x15: {  	[smem:$0x3FB1] =	sst s0;
	s0 =	simm.s32 @!p2 $0x0  }
0x16: {  	s3 =	sld [smem:$0x3FDB];
	s0 =	simm.s32 @p2 $0x1  }
0x17: {  	s4 =	simm.s32 $0x1BF5;
	[smem:$0x3FB3] =	sst s0  }
0x18: {  	s0 =	sld [smem:$0x3F96];
	_ =	swait.ge [sflag:s4], $0x0  }
0x19: {  	s7 =	sld [smem:$0x3F97]  }
0x1a: {  	s8 =	sadd.s32 $0xFFFFE003, lr  }
0x1b: {  	s9 =	sadd.s32 $0xFFFFFEF7, lr;
	s5 =	simm.s32 $0xFFFFFFFF;
	p2 =	slt.u32 s8, $0xFFFFF086  }
0x1c: {  	p1 =	slt.u32 s9, $0xF7A;
	s5 =	simm.s32 @!p2 $0x0  }
0x1d: {  	s5 =	simm.s32 @p1 $0x1;
	p0 =	seq.s32 s7, s2  }
0x1e: {  	s7 =	smul.u32 @!p0 $0xF7A, s2;
	p2 =	seq.s32 @!p0 s5, $0x0  }
0x1f: {  	s9 =	smul.u32 $0xF7A, s1;
	s8 =	simm.s32 @!p0 $0x1BF5;
	p2 =	por !p2, p0  }
0x20: {  	[sflag:s8] =	ssyncset.s32 @!p0 $0xFFFFF086;
	s6 =	sadd.s32 @!p0 s3, s7;
	s7 =	simm.s32 @!p0 $0x108  }
0x21: {  	s3 =	sadd.s32 s3, s9;
	s6 =	sadd.s32 @!p0 $0x88, s6;
	s7 =	simm.s32 @p2 $0x1082  }
0x22: {  	[simem:s7], [sflag:s8] =	dma.local @!p0 [hbm:s6], $0xF7A  }
0x23: {  	s9 =	sor.u32 $0xD0000000, s2;
	s6 =	simm.s32 $0x108;
	_ =	swait.ge @!p0 [sflag:s8], $0x0  }
0x24: {  	s3 =	sadd.s32 $0x88, s3;
	s6 =	simm.s32 @!p1 $0x1082;
	[sflag:s4] =	ssyncset.s32 $0xFFFFF086  }
0x25: {  	[simem:s6], [sflag:s4] =	dma.local [hbm:s3], $0xF7A  }
0x26: {  	[smem:$0x3F97] =	sst s1;
	(tag) =	ssettag s2;
	_ =	strace s9  }
0x27: {  	s1 =	sld [smem:$0x3FA7]  }
0x28: {  	s2 =	sld [smem:$0x3FA8]  }
0x29: {  	s4 =	sld [smem:$0x3FAA]  }
0x2a: {  	p0 =	seq.s32 s5, $0x0;
	s5 =	sld [smem:$0x3FAB]  }
0x2b: {  	s6 =	sld [smem:$0x3FAC]  }
0x2c: {  	s7 =	sld [smem:$0x3FAD]  }
0x2d: {  	s3 =	simm.s32 $0x108;
	s8 =	sld [smem:$0x3FAE]  }
0x2e: {  	s3 =	simm.s32 @!p0 $0x1082;
	s9 =	sld [smem:$0x3FAF]  }
0x2f: {  	lr =	sadd.s32 s0, s3;
	s0 =	sld [smem:$0x3FA6]  }
0x30: {  	s3 =	sld [smem:$0x3FA9]  }
0x31: {  	[smem:$0x3FB2] =	sst s10  }
0x32: {  	s10 =	sld [smem:$0x3FB0];
	_ =	sdelay $0x3  }
0x33: {  	p0 =	seq.s32 s10, $0x1;
	s10 =	sld [smem:$0x3FB2];
	_ =	sdelay $0x3  }
0x34: {  	[smem:$0x3FB2] =	sst s10  }
0x35: {  	s10 =	sld [smem:$0x3FB1];
	_ =	sdelay $0x3  }
0x36: {  	p1 =	seq.s32 s10, $0x1;
	s10 =	sld [smem:$0x3FB2];
	_ =	sdelay $0x3  }
0x37: {  	[smem:$0x3FB2] =	sst s10  }
0x38: {  	s10 =	sld [smem:$0x3FB3]  }
0x39: {  	_ = 	snop;
	(pc) =	sbr.ind lr, $3  }
0x3a: {  	_ = 	snop  }
0x3b: {  	_ = 	snop  }
0x3c: {  	p2 =	seq.s32 s10, $0x1;
	s10 =	sld [smem:$0x3FB2]  }
0x3d: {  	_ =	shalt  }
0x3e: {  	_ =	shalt  }
0x3f: {  	_ =	shalt  }
0x40: {  	_ =	shalt  }
0x41: {  	_ =	shalt  }
0x42: {  	_ =	shalt  }
0x43: {  	_ =	shalt  }
0x44: {  	_ =	shalt  }
0x45: {  	_ =	shalt  }
0x46: {  	_ =	shalt  }
0x47: {  	_ =	shalt  }
0x48: {  	_ =	shalt  }
0x49: {  	_ =	shalt  }
0x4a: {  	_ =	shalt  }
0x4b: {  	_ =	shalt  }
0x4c: {  	_ =	shalt  }
0x4d: {  	_ =	shalt  }
0x4e: {  	_ =	shalt  }
0x4f: {  	_ =	shalt  }
0x50: {  	_ =	shalt  }
0x51: {  	_ =	shalt  }
0x52: {  	_ =	shalt  }
0x53: {  	_ =	shalt  }
0x54: {  	_ =	shalt  }
0x55: {  	_ =	shalt  }
0x56: {  	_ =	shalt  }
0x57: {  	_ =	shalt  }
0x58: {  	_ =	shalt  }
0x59: {  	_ =	shalt  }
0x5a: {  	_ =	shalt  }
0x5b: {  	_ =	shalt  }
0x5c: {  	_ =	shalt  }
0x5d: {  	_ =	shalt  }
0x5e: {  	_ =	shalt  }
0x5f: {  	_ =	shalt  }
0x60: {  	_ =	shalt  }
0x61: {  	_ =	shalt  }
0x62: {  	_ =	shalt  }
0x63: {  	_ =	shalt  }
0x64: {  	_ =	shalt  }
0x65: {  	_ =	shalt  }
0x66: {  	_ =	shalt  }
0x67: {  	_ =	shalt  }
0x68: {  	_ =	shalt  }
0x69: {  	_ =	shalt  }
0x6a: {  	_ =	shalt  }
0x6b: {  	_ =	shalt  }
0x6c: {  	_ =	shalt  }
0x6d: {  	_ =	shalt  }
0x6e: {  	_ =	shalt  }
0x6f: {  	_ =	shalt  }
0x70: {  	_ =	shalt  }
0x71: {  	_ =	shalt  }
0x72: {  	_ =	shalt  }
0x73: {  	_ =	shalt  }
0x74: {  	_ =	shalt  }
0x75: {  	_ =	shalt  }
0x76: {  	_ =	shalt  }
0x77: {  	_ =	shalt  }
0x78: {  	_ =	shalt  }
0x79: {  	_ =	shalt  }
0x7a: {  	_ =	shalt  }
0x7b: {  	_ =	shalt  }
0x7c: {  	_ =	shalt  }
0x7d: {  	_ =	shalt  }
0x7e: {  	_ =	shalt  }
0x7f: {  	_ =	shalt  }
0x80: {  	_ =	shalt  }
0x81: {  	_ =	shalt  }
0x82: {  	_ =	shalt  }
0x83: {  	_ =	shalt  }
0x84: {  	_ =	shalt  }
0x85: {  	_ =	shalt  }
0x86: {  	_ =	shalt  }
0x87: {  	_ =	shalt  }
.Lfunc_end0:
.L_simem_size_0:
called_computation.2_lowered:
.L_overlay_start_0:
0x88: {  	s2 =	sld [smem:$0x3FD9]  }
0x89: {  	s3 =	sld [smem:$0x3FFE];
	_ =	sdelay $0x1  }
0x8a: {  	s1 =	srdreg.scid  }
0x8b: {  	s0 =	sand.u32 $0x1, s1  }
0x8c: {  	s17 =	sshll.u32 s0, $0xA;
	s2 =	sadd.s32 s3, s2  }
0x8d: {  	s2 =	sadd.s32 s2, s17  }
0x8e: {  	[smem:$0x3FBE] =	sst s2  }
0x8f: {  	_ = 	snop  }
0x90: {  	s2 =	sld [smem:$0x3FD0];
	(tm) =	ssettm $0x1  }
0x91: {  	s18 =	sld [smem:$0x3FFB];
	_ =	sdelay $0x3  }
0x92: {  	_ =	strace s18  }
0x93: {  	s3 =	sld [smem:$0x3FFC];
	_ =	sdelay $0x3  }
0x94: {  	_ =	strace s3  }
0x95: {  	s3 =	sld [smem:$0x3FFD];
	_ =	sdelay $0x3  }
0x96: {  	_ =	strace s3  }
0x97: {  	_ =	strace $0x8FFFFFFF  }
0x98: {  	s19 =	sld [smem:$0x3FDB];
	_ =	sdelay $0x1  }
0x99: {  	s4 =	simm.s32 $_scs_section_size  }
0x9a: {  	s5 =	simm.s32 $_size__tile_overlayer_lowered;
	s6 =	simm.s32 $_tile_overlayer_lowered  }
0x9b: {  	s22 =	simm.s32 $0x1BFF;
	s21 =	sshll.u32 s6, $0x1;
	s3 =	sadd.s32 s4, s19  }
0x9c: {  	s7 =	simm.s32 $0x0;
	s20 =	sshll.u32 s5, $0x1;
	s5 =	sadd.s32 s21, s3  }
0x9d: {  	[timem:s7], [sflag:s22] =	dma.local [hbm:s5], s20  }
0x9e: {  	_ =	swait.ge [sflag:s22], s20  }
0x9f: {  	s4 =	ssub.s32 $0x0, s20;
	[sflag:s22] =	ssyncset.done $0x0  }
0xa0: {  	[sflag:s22] =	ssyncadd.s32 s4;
	_ =	sdelay $0x1  }
0xa1: {  	s23 =	simm.s32 $0x1B8B  }
0xa2: {  	_ =	swait.ge [sflag:s23], $0x1  }
0xa3: {  	[sflag:s23] =	ssyncset.done $0x0  }
0xa4: {  	s25 =	simm.s32 $0x1B8E;
	s24 =	sld [smem:$0x3FFE];
	[sflag:s23] =	ssyncadd.s32 $0xFFFFFFFF  }
0xa5: {  	s26 =	simm.s32 $execute0_lowered;
	[smem:$0x3FD2] =	sst s25  }
0xa6: {  	s5 =	sshll.u32 s26, $0x1;
	_ =	strace $0x8000004C;
	[dreg:$0x1] =	wrdreg $0xFFFFFFFF  }
0xa7: {  	s28 =	simm.s32 $_size_execute0_lowered;
	s3 =	sadd.s32 s3, s5;
	[dreg:$0x0] =	wrdreg $0x0  }
0xa8: {  	s5 =	sshll.u32 s28, $0x1;
	[dreg:$0x2] =	wrdreg s3  }
0xa9: {  	[dreg:$0x3] =	wrdreg s5  }
0xaa: {  	[dreg:$0x4] =	wrdreg $0xC0  }
0xab: {  	_ =	task [dreg:s7], $0x5FFFF  }
0xac: {  	[dreg:$0x1] =	wrdreg $0xFFFFFFFF  }
0xad: {  	[dreg:$0x0] =	wrdreg $0x60  }
0xae: {  	[dreg:$0x2] =	wrdreg s24  }
0xaf: {  	[dreg:$0x3] =	wrdreg s2  }
0xb0: {  	[dreg:$0x4] =	wrdreg $0xC3000  }
0xb1: {  	[dreg:$0x5] =	wrdreg $0x9  }
0xb2: {  	_ =	task.clear_ibuf [dreg:s7], $0x6FFFF;
	_ =	strace $0x9000004C  }
0xb3: {  	s29 =	simm.s32 $0x9;
	_ =	strace $0x8000004E  }
0xb4: {  	_ =	swait.ge [sflag:s29], $0x1  }
0xb5: {  	[sflag:s29] =	ssyncadd.s32 $0xFFFFFFFF  }
0xb6: {  	_ =	strace $0x9000004E  }
0xb7: {  	_ =	sfence  }
0xb8: {  	s30 =	sld [smem:$0x0];
	_ =	sdelay $0x2  }
0xb9: {  	s31 =	sshll.u32 s1, $0xD;
	s1 =	sshrl.u32 s1, $0x2  }
0xba: {  	s3 =	sand.u32 $0x4000, s31;
	s1 =	sadd.s32 s1, s30  }
0xbb: {  	s0 =	sor.u32 s3, s0;
	s1 =	sshll.u32 s1, $0x11  }
0xbc: {  	s0 =	sor.u32 s1, s0  }
0xbd: {  	s0 =	sadd.s32 $0x8F2B, s0  }
0xbe: {  	[sflag:s0] =	ssyncadd.remote.s32 $0x1  }
0xbf: {  	_ =	sfence.sel $0xFFFF  }
0xc0: {  	[dreg:$0x0] =	wrdreg $0xFFFFFFFF;
	(pc) =	sbr.abs _section_cstart, $3  }
0xc1: {  	[dreg:$0x1] =	wrdreg $0xFFFFFFFF  }
0xc2: {  	_ =	task.clear_ibuf [dreg:s7], $0x2FFFF;
	_ =	strace $0x9FFFFFFF  }
0xc3: {  	(tm) =	ssettm $0x7FFFFFFF  }
tec
execute0_lowered:
.L_overlay_start_1:
0x0: {  	(tag) =	ssettag $0x1  }
0x1: {  	s0 =	rddreg [dreg:$0x0]  }
0x2: {  	s2 =	rddreg [dreg:$0x1]  }
0x3: {  	s3 =	rddreg [dreg:$0x2]  }
0x4: {  	s12 =	stileid.u32;
	s1 =	srdreg.scid;
	s4 =	simm.s32 $0x0  }
0x5: {  	s28 =	simm.s32 $0x100;
	s29 =	simm.s32 $0x280;
	s7 =	smul.u32 $0x13C00, s12  }
0x6: {  	s31 =	simm.s32 $0x300;
	s1 =	sand.u32 $0x1, s1;
	s13 =	smul.u32 $0x4F000, s12  }
0x7: {  	[smem:$0x7FF] =	sst s4;
	s5 =	sadd.s32 $0x2A600, s0;
	s18 =	smul.u32 $0x2880, s12  }
0x8: {  	s6 =	sadd.s32 $0x79600, s0;
	s16 =	sshll.u32 s12, $0x6;
	s8 =	smul.u32 $0x13C000, s1  }
0x9: {  	_ =	strace $0x8000004D;
	s10 =	sshll.u32 s1, $0x4;
	s14 =	ssub.s32 $0x2, s1  }
0xa: {  	s1 =	smul.u32 $0x28800, s1;
	s9 =	sshrl.u32 s7, $0x3;
	s10 =	sor.u32 s12, s10  }
0xb: {  	s11 =	sshrl.u32 s14, $0x1;
	s12 =	simm.s32 $0x5;
	s9 =	sadd.s32 s9, s0  }
0xc: {  	s7 =	sadd.s32 s7, s8;
	s8 =	sshrl.u32 s13, $0x2;
	s10 =	smul.u32 $0x2880, s10  }
0xd: {  	s1 =	sadd.s32 s18, s1;
	s13 =	simm.s32 $0x6;
	s7 =	sshrl.u32 s7, $0x3  }
0xe: {  	s8 =	sadd.s32 s8, s3;
	s15 =	sadd.s32 $0x2E00, s9;
	s9 =	sor.u32 $0x1C0A, s16  }
0xf: {  	s23 =	sadd.s32 $0x280, s1;
	s25 =	sadd.s32 $0x200, s1;
	s30 =	sadd.s32 $0x180, s1  }
0x10: {  	s1 =	simm.s32 $0x4300;
	s0 =	sadd.s32 s7, s0;
	[dreg:$0x4] =	wrdreg s8  }
0x11: {  	s7 =	ssub.s32 s14, s11;
	[dreg:$0x5] =	wrdreg s15;
	s10 =	sshrl.u32 s10, $0x3  }
0x12: {  	s24 =	sshrl.u32 s23, $0x3;
	s26 =	sshrl.u32 s25, $0x3;
	[dreg:$0xf] =	wrdreg s30  }
0x13: {  	s23 =	simm.s32 $0xA;
	s25 =	simm.s32 $0x80;
	s11 =	simm.s32 $0x4  }
0x14: {  	s14 =	simm.s32 $0x0;
	[dreg:$0x6] =	wrdreg s9;
	s19 =	sadd.s32 s6, s10  }
0x15: {  	s17 =	sadd.s32 $0x10, s10;
	s20 =	sadd.s32 s2, s10;
	[dreg:$0x7] =	wrdreg s19  }
0x16: {  	s22 =	sadd.s32 $0x20, s10;
	s0 =	sadd.s32 $0x83800, s0;
	[dreg:$0x8] =	wrdreg s20  }
0x17: {  	s7 =	smax.u32 s7, $0x1;
	s18 =	sadd.s32 s24, s2;
	[dreg:$0xd] =	wrdreg s0  }
0x18: {  	s21 =	sadd.s32 s6, s17;
	s8 =	sadd.s32 s2, s17;
	[dreg:$0xe] =	wrdreg s7  }
.Ltmp0:
0x19: {  	s10 =	sadd.s32 s6, s22;
	[dreg:$0x9] =	wrdreg s21;
	(pc) =	sbr.rel .LBB2_1-.Ltmp0, $4  }
0x1a: {  	s19 =	sadd.s32 s24, s6;
	s20 =	sadd.s32 s26, s2;
	[dreg:$0xa] =	wrdreg s8  }
0x1b: {  	s24 =	simm.s32 $0x180;
	s7 =	simm.s32 $0x7;
	[dreg:$0xb] =	wrdreg s10  }
0x1c: {  	s8 =	sadd.s32 s2, s22;
	s21 =	sadd.s32 s26, s6;
	s26 =	simm.s32 $0x200  }
0x1d: {  	s10 =	simm.s32 $0x8300;
	[dreg:$0xc] =	wrdreg s8;
	s8 =	simm.s32 $0x3  }
.LBB2_4:
0x1e: {  	[bflag:$0x0] =	sbarrier.arrive $0xFFFF  }
0x1f: {  	s9 =	rddreg [dreg:$0x6]  }
0x20: {  	s0 =	rddreg [dreg:$0xd]  }
0x21: {  	[hbm:s0], [sflag:s9] =	dma.local [spmem:s15], $0x2780  }
0x22: {  	_ =	swait.ge [sflag:s23], $0x2780  }
0x23: {  	s14 =	sadd.s32 $0x1, s14;
	s30 =	rddreg [dreg:$0xe]  }
0x24: {  	p0 =	sne.s32 s14, s30  }
.Ltmp1:
0x25: {  	_ = 	snop;
	(pc) =	sbr.rel @!p0 .LBB2_5-.Ltmp1, $3  }
0x26: {  	_ =	sdelay $0x1  }
0x27: {  	[sflag:s23] =	ssyncset.done $0x0  }
0x28: {  	[sflag:s23] =	ssyncadd.s32 $0xFFFFD880  }
.LBB2_1:
0x29: {  	s0 =	rddreg [dreg:$0x4]  }
0x2a: {  	s16 =	rddreg [dreg:$0x5];
	s15 =	sshrl.u32 s0, $0x3  }
0x2b: {  	[spmem:s15], [sflag:s9] =	dma.local [hbm:s16], $0x2780  }
0x2c: {  	_ =	swait.ge [sflag:s23], $0x2780  }
0x2d: {  	[sflag:s23] =	ssyncset.done $0x0  }
0x2e: {  	[sflag:s23] =	ssyncadd.s32 $0xFFFFD880  }
0x2f: {  	[bflag:$0x0] =	sbarrier.arrive $0xFFFF  }
0x30: {  	s17 =	rddreg [dreg:$0x7]  }
0x31: {  	[tilespmem:s4], [sflag:$0x1] =	stream.linear.gather [hbm4b:s17+s4], $0x80, $0x38;
	[tilespmem:$0x1FF00] =	vst v63  }
0x32: {  	s22 =	rddreg [dreg:$0x8]  }
0x33: {  	[tilespmem:s24], [sflag:$0x4] =	stream.linear.gather [hbm4b:s22+s4], $0x80, $0x38;
	[tilespmem:$0x1FF00] =	vst v63  }
0x34: {  	s30 =	rddreg [dreg:$0x9]  }
0x35: {  	[tilespmem:s25], [sflag:$0x2] =	stream.linear.gather [hbm4b:s30+s4], $0x80, $0x38;
	[tilespmem:$0x1FF00] =	vst v63  }
0x36: {  	s9 =	rddreg [dreg:$0xa]  }
0x37: {  	[tilespmem:s26], [sflag:$0x5] =	stream.linear.gather [hbm4b:s9+s4], $0x80, $0x38;
	[tilespmem:$0x1FF00] =	vst v63  }
0x38: {  	s16 =	rddreg [dreg:$0xb]  }
0x39: {  	[tilespmem:s28], [sflag:$0x3] =	stream.linear.gather [hbm4b:s16+s4], $0x80, $0x38;
	[tilespmem:$0x1FF00] =	vst v63  }
0x3a: {  	s17 =	rddreg [dreg:$0xc];
	s22 =	simm.s32 $0x1  }
0x3b: {  	[tilespmem:s29], [sflag:$0x6] =	stream.linear.gather [hbm4b:s17+s4], $0x80, $0x38;
	[tilespmem:$0x1FF00] =	vst v63  }
0x3c: {  	_ =	swait.ge [sflag:s22], $0x80  }
0x3d: {  	[sflag:s22] =	ssyncset.done $0x0  }
0x3e: {  	s30 =	simm.s32 $0x2;
	[sflag:s22] =	ssyncadd.s32 $0xFFFFFF80  }
0x3f: {  	[tilespmem:s31], [sflag:$0x7] =	stream.indirect.gather [hbm4b:s5+s25], $0x80, s4, s25, $0xb8;
	[tilespmem:$0x1FF00] =	vst v63  }
0x40: {  	_ =	swait.ge [sflag:s30], $0x80  }
0x41: {  	[sflag:s30] =	ssyncset.done $0x0  }
0x42: {  	s17 =	simm.s32 $0x0;
	s22 =	rddreg [dreg:$0xf];
	[sflag:s30] =	ssyncadd.s32 $0xFFFFFF80  }
0x43: {  	[tilespmem:s1], [sflag:$0x8] =	stream.indirect.gather [hbm4b:s5+s25], $0x80, s25, s25, $0xb8;
	[tilespmem:$0x1FF00] =	vst v63  }
.LBB2_2:
0x44: {  	_ =	swait.ge [sflag:s7], $0x4000  }
0x45: {  	[sflag:s7] =	ssyncset.done $0x0  }
0x46: {  	[sflag:s7] =	ssyncadd.s32 $0xFFFFC000  }
0x47: {  	_ =	swait.ge [sflag:s8], $0x80  }
0x48: {  	[sflag:s8] =	ssyncset.done $0x0  }
0x49: {  	[sflag:s8] =	ssyncadd.s32 $0xFFFFFF80  }
0x4a: {  	[tilespmem:s10], [sflag:$0x9] =	stream.indirect.gather [hbm4b:s5+s25], $0x80, s28, s25, $0xb8;
	[tilespmem:$0x1FF00] =	vst v63  }
0x4b: {  	_ =	swait.ge [sflag:s11], $0x80  }
0x4c: {  	[sflag:s11] =	ssyncset.done $0x0  }
0x4d: {  	[sflag:s11] =	ssyncadd.s32 $0xFFFFFF80  }
0x4e: {  	[spmem:s3] =	stream.indirect.scatter.add.f32 [tilespmem:s31], [sflag:$0xA], $0x80, s24, s25, $0xb8;
	[tilespmem:$0x1FF00] =	vst v63  }
0x4f: {  	_ =	swait.ge [sflag:s23], $0x4000  }
0x50: {  	p0 =	seq.s32 s17, $0x4E0;
	[sflag:s23] =	ssyncset.done $0x0  }
0x51: {  	s16 =	simm.s32 @p0 $0x8;
	[sflag:s23] =	ssyncadd.s32 $0xFFFFC000  }
0x52: {  	_ =	swait.ge @p0 [sflag:s16], $0x4000  }
0x53: {  	s30 =	sshrl.u32 @!p0 s22, $0x3;
	[sflag:s16] =	ssyncset.done @p0 $0x0  }
0x54: {  	s0 =	simm.s32 @!p0 $0x0;
	[sflag:s16] =	ssyncadd.s32 @p0 $0xFFFFC000;
	s16 =	sadd.s32 @!p0 s6, s30  }
0x55: {  	[tilespmem:s0], [sflag:$0x1] =	stream.linear.gather @!p0 [hbm4b:s16+s0], $0x80, $0x38;
	[tilespmem:$0x1FF00] =	vst v63  }
0x56: {  	s16 =	sadd.s32 @!p0 s2, s30;
	s30 =	simm.s32 @!p0 $0x180  }
0x57: {  	[tilespmem:s30], [sflag:$0x4] =	stream.linear.gather @!p0 [hbm4b:s16+s0], $0x80, $0x38;
	[tilespmem:$0x1FF00] =	vst v63  }
0x58: {  	s16 =	simm.s32 @!p0 $0x8  }
0x59: {  	_ =	swait.ge @!p0 [sflag:s16], $0x4000  }
0x5a: {  	[sflag:s16] =	ssyncset.done @!p0 $0x0  }
0x5b: {  	[sflag:s16] =	ssyncadd.s32 @!p0 $0xFFFFC000;
	s16 =	simm.s32 @!p0 $0x1  }
0x5c: {  	_ =	swait.ge @!p0 [sflag:s16], $0x80  }
0x5d: {  	[sflag:s16] =	ssyncset.done @!p0 $0x0  }
0x5e: {  	s30 =	simm.s32 @!p0 $0x300;
	[sflag:s16] =	ssyncadd.s32 @!p0 $0xFFFFFF80;
	s16 =	simm.s32 @!p0 $0x80  }
0x5f: {  	[tilespmem:s30], [sflag:$0x7] =	stream.indirect.gather @!p0 [hbm4b:s5+s16], $0x80, s0, s16, $0xb8;
	[tilespmem:$0x1FF00] =	vst v63  }
0x60: {  	_ =	swait.ge [sflag:s12], $0x80  }
0x61: {  	[sflag:s12] =	ssyncset.done $0x0  }
0x62: {  	[sflag:s12] =	ssyncadd.s32 $0xFFFFFF80  }
0x63: {  	[spmem:s3] =	stream.indirect.scatter.add.f32 [tilespmem:s1], [sflag:$0xA], $0x80, s26, s25, $0xb8;
	[tilespmem:$0x1FF00] =	vst v63  }
0x64: {  	_ =	swait.ge [sflag:s23], $0x4000  }
0x65: {  	[sflag:s23] =	ssyncset.done $0x0  }
0x66: {  	s30 =	simm.s32 @p0 $0x9;
	[sflag:s23] =	ssyncadd.s32 $0xFFFFC000  }
0x67: {  	_ =	swait.ge @p0 [sflag:s30], $0x4000  }
0x68: {  	[sflag:s30] =	ssyncset.done @p0 $0x0  }
0x69: {  	[sflag:s30] =	ssyncadd.s32 @p0 $0xFFFFC000;
	s30 =	sadd.s32 @!p0 s17, s21  }
0x6a: {  	[tilespmem:s16], [sflag:$0x2] =	stream.linear.gather @!p0 [hbm4b:s30+s0], $0x80, $0x38;
	[tilespmem:$0x1FF00] =	vst v63  }
0x6b: {  	s9 =	simm.s32 @!p0 $0x200;
	s30 =	sadd.s32 @!p0 s17, s20  }
0x6c: {  	[tilespmem:s9], [sflag:$0x5] =	stream.linear.gather @!p0 [hbm4b:s30+s0], $0x80, $0x38;
	[tilespmem:$0x1FF00] =	vst v63  }
0x6d: {  	s0 =	simm.s32 @!p0 $0x9  }
0x6e: {  	_ =	swait.ge @!p0 [sflag:s0], $0x4000  }
0x6f: {  	[sflag:s0] =	ssyncset.done @!p0 $0x0  }
0x70: {  	[sflag:s0] =	ssyncadd.s32 @!p0 $0xFFFFC000;
	s0 =	simm.s32 @!p0 $0x2  }
0x71: {  	_ =	swait.ge @!p0 [sflag:s0], $0x80  }
0x72: {  	[sflag:s0] =	ssyncset.done @!p0 $0x0  }
0x73: {  	[sflag:s0] =	ssyncadd.s32 @!p0 $0xFFFFFF80;
	s0 =	simm.s32 @!p0 $0x4300  }
0x74: {  	[tilespmem:s0], [sflag:$0x8] =	stream.indirect.gather @!p0 [hbm4b:s5+s16], $0x80, s16, s16, $0xb8;
	[tilespmem:$0x1FF00] =	vst v63  }
0x75: {  	_ =	swait.ge [sflag:s13], $0x80  }
0x76: {  	[sflag:s13] =	ssyncset.done $0x0  }
.Ltmp2:
0x77: {  	[sflag:s13] =	ssyncadd.s32 $0xFFFFFF80;
	(pc) =	sbr.rel @p0 .LBB2_4-.Ltmp2, $4  }
0x78: {  	[spmem:s3] =	stream.indirect.scatter.add.f32 [tilespmem:s10], [sflag:$0xA], $0x80, s29, s25, $0xb8;
	[tilespmem:$0x1FF00] =	vst v63  }
0x79: {  	_ =	swait.ge [sflag:s23], $0x4000  }
0x7a: {  	[sflag:s23] =	ssyncset.done $0x0  }
0x7b: {  	[sflag:s23] =	ssyncadd.s32 $0xFFFFC000  }
.Ltmp3:
0x7c: {  	(pc) =	sbr.rel .LBB2_2-.Ltmp3, $4  }
0x7d: {  	s0 =	sadd.s32 s17, s19  }
0x7e: {  	[tilespmem:s28], [sflag:$0x3] =	stream.linear.gather [hbm4b:s0+s4], $0x80, $0x38;
	[tilespmem:$0x1FF00] =	vst v63  }
0x7f: {  	s30 =	sadd.s32 s17, s18;
	s17 =	sadd.s32 $0x30, s17;
	s22 =	sadd.s32 $0x180, s22  }
0x80: {  	[tilespmem:s29], [sflag:$0x6] =	stream.linear.gather [hbm4b:s30+s4], $0x80, $0x38;
	[tilespmem:$0x1FF00] =	vst v63  }
.LBB2_5:
0x81: {  	_ =	sfence.sel $0x180000  }
0x82: {  	[bflag:$0x0] =	sbarrier.arrive $0xFFFF  }
0x83: {  	_ =	strace $0x9000004D  }
0x84: {  	s0 =	stileid.u32;
	[bflag:$0x2] =	sbarrier.arrive $0xFFFF  }
0x85: {  	p0 =	sne.s32 s0, $0x0;
	s0 =	rddreg [dreg:$0x3]  }
0x86: {  	s0 =	sadd.s32 @!p0 $0x100000, s0  }
0x87: {  	[sflag:s0] =	ssyncadd.tile.s32 @!p0 $0x1;
	_ =	shalt  }
.Lfunc_end2:
_tile_overlayer_lowered:
.L_overlay_start_2:
0x88: {  	(tag) =	ssettag $0x2  }
0x89: {  	s0 =	rddreg [dreg:$0x0];
	s2 =	stileid.u32  }
0x8a: {  	s1 =	rddreg [dreg:$0x1];
	p0 =	sne.s32 s2, $0x0  }
0x8b: {  	s3 =	rddreg [dreg:$0x2];
	[bflag:$0x3] =	sbarrier.arrive $0xFFFF;
	s2 =	simm.s32 @!p0 $0x1C0A  }
0x8c: {  	[timem:s3], [sflag:s2] =	dma.local @!p0 [hbm:s0], s1  }
0x8d: {  	s0 =	simm.s32 @!p0 $0xA  }
0x8e: {  	_ =	swait.ge @!p0 [sflag:s0], s1  }
0x8f: {  	s1 =	ssub.s32 @!p0 $0x0, s1;
	[sflag:s0] =	ssyncset.done @!p0 $0x0  }
0x90: {  	[sflag:s0] =	ssyncadd.s32 @!p0 s1  }
0x91: {  	[bflag:$0x3] =	sbarrier.arrive $0xFFFF  }
0x92: {  	_ =	shalt  }

// kernel: kernel.8.cloned.1.call-start
scs
__scs_entry_jumppad:
0x0: {  	(pc) =	sbr.rel $0x88, $3  }
0x1: {  	(tag) =	ssettag $0x0;
	lr =	simm.s32 $0x1  }
0x2: {  	[smem:$0x3F97] =	sst lr;
	_ =	strace $0xD0000000  }
0x3: {  	_ = 	snop  }
0x4: {  	_ = 	snop  }
0x5: {  	_ = 	snop  }
0x6: {  	_ = 	snop  }
0x7: {  	_ = 	snop  }
__scs_overlays_trampoline_lowered:
0x8: {  	[smem:$0x3FA6] =	sst s0  }
0x9: {  	[smem:$0x3FA7] =	sst s1  }
0xa: {  	[smem:$0x3FA8] =	sst s2  }
0xb: {  	[smem:$0x3FA9] =	sst s3  }
0xc: {  	[smem:$0x3FAA] =	sst s4  }
0xd: {  	[smem:$0x3FAB] =	sst s5  }
0xe: {  	[smem:$0x3FAC] =	sst s6  }
0xf: {  	[smem:$0x3FAD] =	sst s7  }
0x10: {  	[smem:$0x3FAE] =	sst s8  }
0x11: {  	[smem:$0x3FAF] =	sst s9;
	s0 =	simm.s32 @!p0 $0x0  }
0x12: {  	s1 =	sld [smem:$0x3F95];
	s0 =	simm.s32 @p0 $0x1  }
0x13: {  	[smem:$0x3FB0] =	sst s0;
	s0 =	simm.s32 @!p1 $0x0  }
0x14: {  	s2 =	sld [smem:$0x3F94];
	s0 =	simm.s32 @p1 $0x1  }
0x15: {  	[smem:$0x3FB1] =	sst s0;
	s0 =	simm.s32 @!p2 $0x0  }
0x16: {  	s3 =	sld [smem:$0x3FDB];
	s0 =	simm.s32 @p2 $0x1  }
0x17: {  	s4 =	simm.s32 $0x1BF5;
	[smem:$0x3FB3] =	sst s0  }
0x18: {  	s0 =	sld [smem:$0x3F96];
	_ =	swait.ge [sflag:s4], $0x0  }
0x19: {  	s7 =	sld [smem:$0x3F97]  }
0x1a: {  	s8 =	sadd.s32 $0xFFFFE003, lr  }
0x1b: {  	s9 =	sadd.s32 $0xFFFFFEF7, lr;
	s5 =	simm.s32 $0xFFFFFFFF;
	p2 =	slt.u32 s8, $0xFFFFF086  }
0x1c: {  	p1 =	slt.u32 s9, $0xF7A;
	s5 =	simm.s32 @!p2 $0x0  }
0x1d: {  	s5 =	simm.s32 @p1 $0x1;
	p0 =	seq.s32 s7, s2  }
0x1e: {  	s7 =	smul.u32 @!p0 $0xF7A, s2;
	p2 =	seq.s32 @!p0 s5, $0x0  }
0x1f: {  	s9 =	smul.u32 $0xF7A, s1;
	s8 =	simm.s32 @!p0 $0x1BF5;
	p2 =	por !p2, p0  }
0x20: {  	[sflag:s8] =	ssyncset.s32 @!p0 $0xFFFFF086;
	s6 =	sadd.s32 @!p0 s3, s7;
	s7 =	simm.s32 @!p0 $0x108  }
0x21: {  	s3 =	sadd.s32 s3, s9;
	s6 =	sadd.s32 @!p0 $0x88, s6;
	s7 =	simm.s32 @p2 $0x1082  }
0x22: {  	[simem:s7], [sflag:s8] =	dma.local @!p0 [hbm:s6], $0xF7A  }
0x23: {  	s9 =	sor.u32 $0xD0000000, s2;
	s6 =	simm.s32 $0x108;
	_ =	swait.ge @!p0 [sflag:s8], $0x0  }
0x24: {  	s3 =	sadd.s32 $0x88, s3;
	s6 =	simm.s32 @!p1 $0x1082;
	[sflag:s4] =	ssyncset.s32 $0xFFFFF086  }
0x25: {  	[simem:s6], [sflag:s4] =	dma.local [hbm:s3], $0xF7A  }
0x26: {  	[smem:$0x3F97] =	sst s1;
	(tag) =	ssettag s2;
	_ =	strace s9  }
0x27: {  	s1 =	sld [smem:$0x3FA7]  }
0x28: {  	s2 =	sld [smem:$0x3FA8]  }
0x29: {  	s4 =	sld [smem:$0x3FAA]  }
0x2a: {  	p0 =	seq.s32 s5, $0x0;
	s5 =	sld [smem:$0x3FAB]  }
0x2b: {  	s6 =	sld [smem:$0x3FAC]  }
0x2c: {  	s7 =	sld [smem:$0x3FAD]  }
0x2d: {  	s3 =	simm.s32 $0x108;
	s8 =	sld [smem:$0x3FAE]  }
0x2e: {  	s3 =	simm.s32 @!p0 $0x1082;
	s9 =	sld [smem:$0x3FAF]  }
0x2f: {  	lr =	sadd.s32 s0, s3;
	s0 =	sld [smem:$0x3FA6]  }
0x30: {  	s3 =	sld [smem:$0x3FA9]  }
0x31: {  	[smem:$0x3FB2] =	sst s10  }
0x32: {  	s10 =	sld [smem:$0x3FB0];
	_ =	sdelay $0x3  }
0x33: {  	p0 =	seq.s32 s10, $0x1;
	s10 =	sld [smem:$0x3FB2];
	_ =	sdelay $0x3  }
0x34: {  	[smem:$0x3FB2] =	sst s10  }
0x35: {  	s10 =	sld [smem:$0x3FB1];
	_ =	sdelay $0x3  }
0x36: {  	p1 =	seq.s32 s10, $0x1;
	s10 =	sld [smem:$0x3FB2];
	_ =	sdelay $0x3  }
0x37: {  	[smem:$0x3FB2] =	sst s10  }
0x38: {  	s10 =	sld [smem:$0x3FB3]  }
0x39: {  	_ = 	snop;
	(pc) =	sbr.ind lr, $3  }
0x3a: {  	_ = 	snop  }
0x3b: {  	_ = 	snop  }
0x3c: {  	p2 =	seq.s32 s10, $0x1;
	s10 =	sld [smem:$0x3FB2]  }
0x3d: {  	_ =	shalt  }
0x3e: {  	_ =	shalt  }
0x3f: {  	_ =	shalt  }
0x40: {  	_ =	shalt  }
0x41: {  	_ =	shalt  }
0x42: {  	_ =	shalt  }
0x43: {  	_ =	shalt  }
0x44: {  	_ =	shalt  }
0x45: {  	_ =	shalt  }
0x46: {  	_ =	shalt  }
0x47: {  	_ =	shalt  }
0x48: {  	_ =	shalt  }
0x49: {  	_ =	shalt  }
0x4a: {  	_ =	shalt  }
0x4b: {  	_ =	shalt  }
0x4c: {  	_ =	shalt  }
0x4d: {  	_ =	shalt  }
0x4e: {  	_ =	shalt  }
0x4f: {  	_ =	shalt  }
0x50: {  	_ =	shalt  }
0x51: {  	_ =	shalt  }
0x52: {  	_ =	shalt  }
0x53: {  	_ =	shalt  }
0x54: {  	_ =	shalt  }
0x55: {  	_ =	shalt  }
0x56: {  	_ =	shalt  }
0x57: {  	_ =	shalt  }
0x58: {  	_ =	shalt  }
0x59: {  	_ =	shalt  }
0x5a: {  	_ =	shalt  }
0x5b: {  	_ =	shalt  }
0x5c: {  	_ =	shalt  }
0x5d: {  	_ =	shalt  }
0x5e: {  	_ =	shalt  }
0x5f: {  	_ =	shalt  }
0x60: {  	_ =	shalt  }
0x61: {  	_ =	shalt  }
0x62: {  	_ =	shalt  }
0x63: {  	_ =	shalt  }
0x64: {  	_ =	shalt  }
0x65: {  	_ =	shalt  }
0x66: {  	_ =	shalt  }
0x67: {  	_ =	shalt  }
0x68: {  	_ =	shalt  }
0x69: {  	_ =	shalt  }
0x6a: {  	_ =	shalt  }
0x6b: {  	_ =	shalt  }
0x6c: {  	_ =	shalt  }
0x6d: {  	_ =	shalt  }
0x6e: {  	_ =	shalt  }
0x6f: {  	_ =	shalt  }
0x70: {  	_ =	shalt  }
0x71: {  	_ =	shalt  }
0x72: {  	_ =	shalt  }
0x73: {  	_ =	shalt  }
0x74: {  	_ =	shalt  }
0x75: {  	_ =	shalt  }
0x76: {  	_ =	shalt  }
0x77: {  	_ =	shalt  }
0x78: {  	_ =	shalt  }
0x79: {  	_ =	shalt  }
0x7a: {  	_ =	shalt  }
0x7b: {  	_ =	shalt  }
0x7c: {  	_ =	shalt  }
0x7d: {  	_ =	shalt  }
0x7e: {  	_ =	shalt  }
0x7f: {  	_ =	shalt  }
0x80: {  	_ =	shalt  }
0x81: {  	_ =	shalt  }
0x82: {  	_ =	shalt  }
0x83: {  	_ =	shalt  }
0x84: {  	_ =	shalt  }
0x85: {  	_ =	shalt  }
0x86: {  	_ =	shalt  }
0x87: {  	_ =	shalt  }
.Lfunc_end0:
.L_simem_size_0:
called_computation_lowered:
.L_overlay_start_0:
0x88: {  	s2 =	sld [smem:$0x3FD9]  }
0x89: {  	s3 =	sld [smem:$0x3FFE];
	_ =	sdelay $0x1  }
0x8a: {  	s1 =	srdreg.scid  }
0x8b: {  	s0 =	sand.u32 $0x1, s1  }
0x8c: {  	s17 =	sshll.u32 s0, $0xA;
	s2 =	sadd.s32 s3, s2  }
0x8d: {  	s2 =	sadd.s32 s2, s17  }
0x8e: {  	[smem:$0x3FBE] =	sst s2  }
0x8f: {  	_ = 	snop  }
0x90: {  	s2 =	sld [smem:$0x3FD0];
	(tm) =	ssettm $0x1  }
0x91: {  	s18 =	sld [smem:$0x3FFB];
	_ =	sdelay $0x3  }
0x92: {  	_ =	strace s18  }
0x93: {  	s3 =	sld [smem:$0x3FFC];
	_ =	sdelay $0x3  }
0x94: {  	_ =	strace s3  }
0x95: {  	s3 =	sld [smem:$0x3FFD];
	_ =	sdelay $0x3  }
0x96: {  	_ =	strace s3  }
0x97: {  	_ =	strace $0x8FFFFFFF  }
0x98: {  	s19 =	sld [smem:$0x3FDB];
	_ =	sdelay $0x1  }
0x99: {  	s4 =	simm.s32 $_scs_section_size  }
0x9a: {  	s5 =	simm.s32 $_size__tile_overlayer_lowered;
	s6 =	simm.s32 $_tile_overlayer_lowered  }
0x9b: {  	s22 =	simm.s32 $0x1BFF;
	s21 =	sshll.u32 s6, $0x1;
	s3 =	sadd.s32 s4, s19  }
0x9c: {  	s7 =	simm.s32 $0x0;
	s20 =	sshll.u32 s5, $0x1;
	s5 =	sadd.s32 s21, s3  }
0x9d: {  	[timem:s7], [sflag:s22] =	dma.local [hbm:s5], s20  }
0x9e: {  	_ =	swait.ge [sflag:s22], s20  }
0x9f: {  	s4 =	ssub.s32 $0x0, s20;
	[sflag:s22] =	ssyncset.done $0x0  }
0xa0: {  	[sflag:s22] =	ssyncadd.s32 s4;
	_ =	sdelay $0x1  }
0xa1: {  	s23 =	simm.s32 $0x1B8B  }
0xa2: {  	_ =	swait.ge [sflag:s23], $0x1  }
0xa3: {  	[sflag:s23] =	ssyncset.done $0x0  }
0xa4: {  	s25 =	simm.s32 $0x1B8E;
	s24 =	sld [smem:$0x3FFE];
	[sflag:s23] =	ssyncadd.s32 $0xFFFFFFFF  }
0xa5: {  	s26 =	simm.s32 $execute0_lowered;
	[smem:$0x3FD2] =	sst s25  }
0xa6: {  	s5 =	sshll.u32 s26, $0x1;
	_ =	strace $0x80000046;
	[dreg:$0x1] =	wrdreg $0xFFFFFFFF  }
0xa7: {  	s28 =	simm.s32 $_size_execute0_lowered;
	s3 =	sadd.s32 s3, s5;
	[dreg:$0x0] =	wrdreg $0x0  }
0xa8: {  	s5 =	sshll.u32 s28, $0x1;
	[dreg:$0x2] =	wrdreg s3  }
0xa9: {  	[dreg:$0x3] =	wrdreg s5  }
0xaa: {  	[dreg:$0x4] =	wrdreg $0xC0  }
0xab: {  	_ =	task [dreg:s7], $0x5FFFF  }
0xac: {  	[dreg:$0x1] =	wrdreg $0xFFFFFFFF  }
0xad: {  	[dreg:$0x0] =	wrdreg $0x60  }
0xae: {  	[dreg:$0x2] =	wrdreg s2  }
0xaf: {  	[dreg:$0x3] =	wrdreg s24  }
0xb0: {  	[dreg:$0x4] =	wrdreg $0x44800  }
0xb1: {  	[dreg:$0x5] =	wrdreg $0x9  }
0xb2: {  	_ =	task.clear_ibuf [dreg:s7], $0x6FFFF;
	_ =	strace $0x90000046  }
0xb3: {  	s29 =	simm.s32 $0x9;
	_ =	strace $0x80000048  }
0xb4: {  	_ =	swait.ge [sflag:s29], $0x1  }
0xb5: {  	[sflag:s29] =	ssyncadd.s32 $0xFFFFFFFF  }
0xb6: {  	_ =	strace $0x90000048  }
0xb7: {  	_ =	sfence  }
0xb8: {  	s30 =	sld [smem:$0x0];
	_ =	sdelay $0x2  }
0xb9: {  	s31 =	sshll.u32 s1, $0xD;
	s1 =	sshrl.u32 s1, $0x2  }
0xba: {  	s3 =	sand.u32 $0x4000, s31;
	s1 =	sadd.s32 s1, s30  }
0xbb: {  	s0 =	sor.u32 s3, s0;
	s1 =	sshll.u32 s1, $0x11  }
0xbc: {  	s0 =	sor.u32 s1, s0  }
0xbd: {  	s0 =	sadd.s32 $0x8F2B, s0  }
0xbe: {  	[sflag:s0] =	ssyncadd.remote.s32 $0x1  }
0xbf: {  	_ =	sfence.sel $0xFFFF  }
0xc0: {  	[dreg:$0x0] =	wrdreg $0xFFFFFFFF;
	(pc) =	sbr.abs _section_cstart, $3  }
0xc1: {  	[dreg:$0x1] =	wrdreg $0xFFFFFFFF  }
0xc2: {  	_ =	task.clear_ibuf [dreg:s7], $0x2FFFF;
	_ =	strace $0x9FFFFFFF  }
0xc3: {  	(tm) =	ssettm $0x7FFFFFFF  }
tec
execute0_lowered:
.L_overlay_start_1:
0x0: {  	(tag) =	ssettag $0x1  }
0x1: {  	s0 =	rddreg [dreg:$0x0]  }
0x2: {  	s1 =	rddreg [dreg:$0x1]  }
0x3: {  	s2 =	rddreg [dreg:$0x2]  }
0x4: {  	s10 =	stileid.u32;
	s4 =	srdreg.scid  }
0x5: {  	s3 =	simm.s32 $0x0;
	s28 =	simm.s32 $0x400;
	s29 =	simm.s32 $0x1  }
0x6: {  	s30 =	simm.s32 $0x2;
	s31 =	simm.s32 $0x0;
	s5 =	smul.u32 $0x13C00, s10  }
0x7: {  	s4 =	sand.u32 $0x1, s4;
	[smem:$0x7FF] =	sst s3;
	s13 =	smul.u32 $0x4F000, s10  }
0x8: {  	s8 =	sadd.s32 $0x2600, s1;
	s16 =	smul.u32 $0x2880, s10;
	s19 =	sshll.u32 s10, $0x6  }
0x9: {  	s6 =	smul.u32 $0x13C000, s4;
	_ =	strace $0x80000047;
	[dreg:$0x5] =	wrdreg s8  }
0xa: {  	s12 =	ssub.s32 $0x2, s4;
	s4 =	smul.u32 $0x28800, s4;
	s7 =	sshrl.u32 s5, $0x3  }
0xb: {  	s14 =	sshrl.u32 s12, $0x1;
	s15 =	sshrl.u32 s13, $0x2;
	s7 =	sadd.s32 s7, s1  }
0xc: {  	s5 =	sadd.s32 s5, s6;
	s9 =	ssub.s32 s12, s14;
	s17 =	sadd.s32 s15, s2  }
0xd: {  	s6 =	sor.u32 $0x1C03, s19;
	s20 =	sadd.s32 s16, s4;
	s19 =	simm.s32 $0x480  }
0xe: {  	s5 =	sshrl.u32 s5, $0x3;
	s18 =	sadd.s32 $0x2E00, s7;
	s8 =	smax.u32 s9, $0x1  }
0xf: {  	s4 =	sshrl.u32 s20, $0x3;
	s21 =	sadd.s32 $0x400, s20;
	s22 =	sadd.s32 $0x380, s20  }
0x10: {  	s24 =	sadd.s32 $0x300, s20;
	s11 =	sadd.s32 $0x280, s20;
	s13 =	sadd.s32 $0x200, s20  }
0x11: {  	s26 =	sadd.s32 $0x180, s20;
	s14 =	sadd.s32 $0x100, s20;
	s17 =	sshrl.u32 s17, $0x3  }
0x12: {  	s1 =	sadd.s32 s5, s1;
	[dreg:$0x6] =	wrdreg s18;
	s4 =	sadd.s32 s4, s0  }
0x13: {  	s9 =	sshrl.u32 s21, $0x3;
	s23 =	sshrl.u32 s22, $0x3;
	s12 =	sshrl.u32 s11, $0x3  }
0x14: {  	s25 =	sshrl.u32 s13, $0x3;
	s15 =	sshrl.u32 s14, $0x3;
	s18 =	simm.s32 $0x3  }
0x15: {  	s21 =	simm.s32 $0x100;
	s22 =	simm.s32 $0x180;
	s7 =	sadd.s32 $0x2A600, s1  }
0x16: {  	[dreg:$0x4] =	wrdreg s4;
	s9 =	sadd.s32 s9, s0;
	s10 =	sadd.s32 s23, s0  }
0x17: {  	s4 =	sshrl.u32 s24, $0x3;
	s12 =	sadd.s32 s12, s0;
	s13 =	sadd.s32 s25, s0  }
0x18: {  	s1 =	sadd.s32 $0x80, s20;
	s15 =	sadd.s32 s15, s0;
	s20 =	simm.s32 $0x80  }
0x19: {  	s23 =	simm.s32 $0x200;
	s24 =	simm.s32 $0x280;
	s25 =	simm.s32 $0x300  }
0x1a: {  	s11 =	sadd.s32 s4, s0;
	s4 =	sshrl.u32 s26, $0x3;
	s1 =	sshrl.u32 s1, $0x3  }
0x1b: {  	s26 =	simm.s32 $0x380;
	s14 =	sadd.s32 s4, s0;
	s16 =	sadd.s32 s1, s0  }
.LBB2_1:
0x1c: {  	s0 =	rddreg [dreg:$0x6]  }
0x1d: {  	[spmem:s17], [sflag:s6] =	dma.local [hbm:s0], $0x2780  }
0x1e: {  	_ =	swait.ge [sflag:s18], $0x2780  }
0x1f: {  	[sflag:s18] =	ssyncset.done $0x0  }
0x20: {  	s5 =	rddreg [dreg:$0x5];
	[sflag:s18] =	ssyncadd.s32 $0xFFFFD880  }
0x21: {  	[tilespmem:s19], [sflag:$0x3] =	stream.linear.gather [hbm4b:s5+s3], $0x4000, $0x38;
	[tilespmem:$0x18080] =	vst v63  }
0x22: {  	_ =	swait.ge [sflag:s18], $0x4000  }
0x23: {  	[sflag:s18] =	ssyncset.done $0x0  }
0x24: {  	[sflag:s18] =	ssyncadd.s32 $0xFFFFC000  }
0x25: {  	[bflag:$0x0] =	sbarrier.arrive $0xFFFF  }
0x26: {  	s1 =	rddreg [dreg:$0x4]  }
0x27: {  	s0 =	sadd.s32 $0x0, s1  }
0x28: {  	[tilespmem:s3], [sflag:$0x1] =	stream.linear.gather [hbm4b:s0+s3], $0x80, $0x38;
	[tilespmem:$0x18080] =	vst v63  }
0x29: {  	s4 =	sadd.s32 $0x0, s16  }
0x2a: {  	[tilespmem:s20], [sflag:$0x1] =	stream.linear.gather [hbm4b:s4+s3], $0x80, $0x38;
	[tilespmem:$0x18080] =	vst v63  }
0x2b: {  	s5 =	sadd.s32 $0x0, s15  }
0x2c: {  	[tilespmem:s21], [sflag:$0x1] =	stream.linear.gather [hbm4b:s5+s3], $0x80, $0x38;
	[tilespmem:$0x18080] =	vst v63  }
0x2d: {  	s1 =	sadd.s32 $0x0, s14  }
0x2e: {  	[tilespmem:s22], [sflag:$0x1] =	stream.linear.gather [hbm4b:s1+s3], $0x80, $0x38;
	[tilespmem:$0x18080] =	vst v63  }
0x2f: {  	s4 =	sadd.s32 $0x0, s13  }
0x30: {  	[tilespmem:s23], [sflag:$0x1] =	stream.linear.gather [hbm4b:s4+s3], $0x80, $0x38;
	[tilespmem:$0x18080] =	vst v63  }
0x31: {  	s5 =	sadd.s32 $0x0, s12  }
0x32: {  	[tilespmem:s24], [sflag:$0x1] =	stream.linear.gather [hbm4b:s5+s3], $0x80, $0x38;
	[tilespmem:$0x18080] =	vst v63  }
0x33: {  	s1 =	sadd.s32 $0x0, s11  }
0x34: {  	[tilespmem:s25], [sflag:$0x1] =	stream.linear.gather [hbm4b:s1+s3], $0x80, $0x38;
	[tilespmem:$0x18080] =	vst v63  }
0x35: {  	s4 =	sadd.s32 $0x0, s10  }
0x36: {  	[tilespmem:s26], [sflag:$0x1] =	stream.linear.gather [hbm4b:s4+s3], $0x80, $0x38;
	[tilespmem:$0x18080] =	vst v63  }
0x37: {  	s5 =	sadd.s32 $0x0, s9  }
0x38: {  	[tilespmem:s28], [sflag:$0x1] =	stream.linear.gather [hbm4b:s5+s3], $0x80, $0x38;
	[tilespmem:$0x18080] =	vst v63  }
0x39: {  	_ =	swait.ge [sflag:s29], $0x80  }
0x3a: {  	[sflag:s29] =	ssyncset.done $0x0  }
0x3b: {  	[sflag:s29] =	ssyncadd.s32 $0xFFFFFF80  }
0x3c: {  	[spmem:s2] =	stream.indirect.scatter.add.f32 [tilespmem:s19], [sflag:$0x2], $0x80, s3, s20, $0xb8;
	[tilespmem:$0x18080] =	vst v63  }
0x3d: {  	_ =	swait.ge [sflag:s29], $0x80  }
0x3e: {  	[sflag:s29] =	ssyncset.done $0x0  }
0x3f: {  	[sflag:s29] =	ssyncadd.s32 $0xFFFFFF80  }
0x40: {  	[spmem:s2] =	stream.indirect.scatter.add.f32 [tilespmem:s19], [sflag:$0x2], $0x80, s20, s20, $0xb8;
	[tilespmem:$0x18080] =	vst v63  }
0x41: {  	_ =	swait.ge [sflag:s29], $0x80  }
0x42: {  	[sflag:s29] =	ssyncset.done $0x0  }
0x43: {  	[sflag:s29] =	ssyncadd.s32 $0xFFFFFF80  }
0x44: {  	[spmem:s2] =	stream.indirect.scatter.add.f32 [tilespmem:s19], [sflag:$0x2], $0x80, s21, s20, $0xb8;
	[tilespmem:$0x18080] =	vst v63  }
0x45: {  	_ =	swait.ge [sflag:s29], $0x80  }
0x46: {  	[sflag:s29] =	ssyncset.done $0x0  }
0x47: {  	[sflag:s29] =	ssyncadd.s32 $0xFFFFFF80  }
0x48: {  	[spmem:s2] =	stream.indirect.scatter.add.f32 [tilespmem:s19], [sflag:$0x2], $0x80, s22, s20, $0xb8;
	[tilespmem:$0x18080] =	vst v63  }
0x49: {  	_ =	swait.ge [sflag:s29], $0x80  }
0x4a: {  	[sflag:s29] =	ssyncset.done $0x0  }
0x4b: {  	[sflag:s29] =	ssyncadd.s32 $0xFFFFFF80  }
0x4c: {  	[spmem:s2] =	stream.indirect.scatter.add.f32 [tilespmem:s19], [sflag:$0x2], $0x80, s23, s20, $0xb8;
	[tilespmem:$0x18080] =	vst v63  }
0x4d: {  	_ =	swait.ge [sflag:s29], $0x80  }
0x4e: {  	[sflag:s29] =	ssyncset.done $0x0  }
0x4f: {  	[sflag:s29] =	ssyncadd.s32 $0xFFFFFF80  }
0x50: {  	[spmem:s2] =	stream.indirect.scatter.add.f32 [tilespmem:s19], [sflag:$0x2], $0x80, s24, s20, $0xb8;
	[tilespmem:$0x18080] =	vst v63  }
0x51: {  	_ =	swait.ge [sflag:s29], $0x80  }
0x52: {  	[sflag:s29] =	ssyncset.done $0x0  }
0x53: {  	[sflag:s29] =	ssyncadd.s32 $0xFFFFFF80  }
0x54: {  	[spmem:s2] =	stream.indirect.scatter.add.f32 [tilespmem:s19], [sflag:$0x2], $0x80, s25, s20, $0xb8;
	[tilespmem:$0x18080] =	vst v63  }
0x55: {  	_ =	swait.ge [sflag:s29], $0x80  }
0x56: {  	[sflag:s29] =	ssyncset.done $0x0  }
0x57: {  	[sflag:s29] =	ssyncadd.s32 $0xFFFFFF80  }
0x58: {  	[spmem:s2] =	stream.indirect.scatter.add.f32 [tilespmem:s19], [sflag:$0x2], $0x80, s26, s20, $0xb8;
	[tilespmem:$0x18080] =	vst v63  }
0x59: {  	_ =	swait.ge [sflag:s29], $0x80  }
0x5a: {  	[sflag:s29] =	ssyncset.done $0x0  }
0x5b: {  	[sflag:s29] =	ssyncadd.s32 $0xFFFFFF80  }
0x5c: {  	[spmem:s2] =	stream.indirect.scatter.add.f32 [tilespmem:s19], [sflag:$0x2], $0x80, s28, s20, $0xb8;
	[tilespmem:$0x18080] =	vst v63  }
0x5d: {  	_ =	swait.ge [sflag:s30], $0x4000  }
0x5e: {  	[sflag:s30] =	ssyncset.done $0x0  }
0x5f: {  	[sflag:s30] =	ssyncadd.s32 $0xFFFFC000  }
0x60: {  	_ =	swait.ge [sflag:s30], $0x4000  }
0x61: {  	[sflag:s30] =	ssyncset.done $0x0  }
0x62: {  	[sflag:s30] =	ssyncadd.s32 $0xFFFFC000  }
0x63: {  	_ =	swait.ge [sflag:s30], $0x4000  }
0x64: {  	[sflag:s30] =	ssyncset.done $0x0  }
0x65: {  	[sflag:s30] =	ssyncadd.s32 $0xFFFFC000  }
0x66: {  	_ =	swait.ge [sflag:s30], $0x4000  }
0x67: {  	[sflag:s30] =	ssyncset.done $0x0  }
0x68: {  	[sflag:s30] =	ssyncadd.s32 $0xFFFFC000  }
0x69: {  	_ =	swait.ge [sflag:s30], $0x4000  }
0x6a: {  	[sflag:s30] =	ssyncset.done $0x0  }
0x6b: {  	[sflag:s30] =	ssyncadd.s32 $0xFFFFC000  }
0x6c: {  	_ =	swait.ge [sflag:s30], $0x4000  }
0x6d: {  	[sflag:s30] =	ssyncset.done $0x0  }
0x6e: {  	[sflag:s30] =	ssyncadd.s32 $0xFFFFC000  }
0x6f: {  	_ =	swait.ge [sflag:s30], $0x4000  }
0x70: {  	[sflag:s30] =	ssyncset.done $0x0  }
0x71: {  	[sflag:s30] =	ssyncadd.s32 $0xFFFFC000  }
0x72: {  	_ =	swait.ge [sflag:s30], $0x4000  }
0x73: {  	[sflag:s30] =	ssyncset.done $0x0  }
0x74: {  	[sflag:s30] =	ssyncadd.s32 $0xFFFFC000  }
0x75: {  	s0 =	simm.s32 $0x90;
	_ =	swait.ge [sflag:s30], $0x4000  }
0x76: {  	s1 =	simm.s32 $0x120;
	s4 =	rddreg [dreg:$0x4];
	[sflag:s30] =	ssyncset.done $0x0  }
.LBB2_2:
0x77: {  	[sflag:s30] =	ssyncadd.s32 $0xFFFFC000;
	s4 =	sadd.s32 s0, s4  }
0x78: {  	[tilespmem:s3], [sflag:$0x1] =	stream.linear.gather [hbm4b:s4+s3], $0x80, $0x38;
	[tilespmem:$0x18080] =	vst v63  }
0x79: {  	s4 =	sadd.s32 s0, s16  }
0x7a: {  	[tilespmem:s20], [sflag:$0x1] =	stream.linear.gather [hbm4b:s4+s3], $0x80, $0x38;
	[tilespmem:$0x18080] =	vst v63  }
0x7b: {  	s4 =	sadd.s32 s0, s15  }
0x7c: {  	[tilespmem:s21], [sflag:$0x1] =	stream.linear.gather [hbm4b:s4+s3], $0x80, $0x38;
	[tilespmem:$0x18080] =	vst v63  }
0x7d: {  	s4 =	sadd.s32 s0, s14  }
0x7e: {  	[tilespmem:s22], [sflag:$0x1] =	stream.linear.gather [hbm4b:s4+s3], $0x80, $0x38;
	[tilespmem:$0x18080] =	vst v63  }
0x7f: {  	s4 =	sadd.s32 s0, s13  }
0x80: {  	[tilespmem:s23], [sflag:$0x1] =	stream.linear.gather [hbm4b:s4+s3], $0x80, $0x38;
	[tilespmem:$0x18080] =	vst v63  }
0x81: {  	s4 =	sadd.s32 s0, s12  }
0x82: {  	[tilespmem:s24], [sflag:$0x1] =	stream.linear.gather [hbm4b:s4+s3], $0x80, $0x38;
	[tilespmem:$0x18080] =	vst v63  }
0x83: {  	s4 =	sadd.s32 s0, s11  }
0x84: {  	[tilespmem:s25], [sflag:$0x1] =	stream.linear.gather [hbm4b:s4+s3], $0x80, $0x38;
	[tilespmem:$0x18080] =	vst v63  }
0x85: {  	s4 =	sadd.s32 s0, s10  }
0x86: {  	[tilespmem:s26], [sflag:$0x1] =	stream.linear.gather [hbm4b:s4+s3], $0x80, $0x38;
	[tilespmem:$0x18080] =	vst v63  }
0x87: {  	s4 =	sadd.s32 s0, s9  }
0x88: {  	[tilespmem:s28], [sflag:$0x1] =	stream.linear.gather [hbm4b:s4+s3], $0x80, $0x38;
	[tilespmem:$0x18080] =	vst v63  }
0x89: {  	_ =	swait.ge [sflag:s29], $0x80  }
0x8a: {  	[sflag:s29] =	ssyncset.done $0x0  }
0x8b: {  	[sflag:s29] =	ssyncadd.s32 $0xFFFFFF80  }
0x8c: {  	[spmem:s2] =	stream.indirect.scatter.add.f32 [tilespmem:s19], [sflag:$0x2], $0x80, s3, s20, $0xb8;
	[tilespmem:$0x18080] =	vst v63  }
0x8d: {  	_ =	swait.ge [sflag:s29], $0x80  }
0x8e: {  	[sflag:s29] =	ssyncset.done $0x0  }
0x8f: {  	[sflag:s29] =	ssyncadd.s32 $0xFFFFFF80  }
0x90: {  	[spmem:s2] =	stream.indirect.scatter.add.f32 [tilespmem:s19], [sflag:$0x2], $0x80, s20, s20, $0xb8;
	[tilespmem:$0x18080] =	vst v63  }
0x91: {  	_ =	swait.ge [sflag:s29], $0x80  }
0x92: {  	[sflag:s29] =	ssyncset.done $0x0  }
0x93: {  	[sflag:s29] =	ssyncadd.s32 $0xFFFFFF80  }
0x94: {  	[spmem:s2] =	stream.indirect.scatter.add.f32 [tilespmem:s19], [sflag:$0x2], $0x80, s21, s20, $0xb8;
	[tilespmem:$0x18080] =	vst v63  }
0x95: {  	_ =	swait.ge [sflag:s29], $0x80  }
0x96: {  	[sflag:s29] =	ssyncset.done $0x0  }
0x97: {  	[sflag:s29] =	ssyncadd.s32 $0xFFFFFF80  }
0x98: {  	[spmem:s2] =	stream.indirect.scatter.add.f32 [tilespmem:s19], [sflag:$0x2], $0x80, s22, s20, $0xb8;
	[tilespmem:$0x18080] =	vst v63  }
0x99: {  	_ =	swait.ge [sflag:s29], $0x80  }
0x9a: {  	[sflag:s29] =	ssyncset.done $0x0  }
0x9b: {  	[sflag:s29] =	ssyncadd.s32 $0xFFFFFF80  }
0x9c: {  	[spmem:s2] =	stream.indirect.scatter.add.f32 [tilespmem:s19], [sflag:$0x2], $0x80, s23, s20, $0xb8;
	[tilespmem:$0x18080] =	vst v63  }
0x9d: {  	_ =	swait.ge [sflag:s29], $0x80  }
0x9e: {  	[sflag:s29] =	ssyncset.done $0x0  }
0x9f: {  	[sflag:s29] =	ssyncadd.s32 $0xFFFFFF80  }
0xa0: {  	[spmem:s2] =	stream.indirect.scatter.add.f32 [tilespmem:s19], [sflag:$0x2], $0x80, s24, s20, $0xb8;
	[tilespmem:$0x18080] =	vst v63  }
0xa1: {  	_ =	swait.ge [sflag:s29], $0x80  }
0xa2: {  	[sflag:s29] =	ssyncset.done $0x0  }
0xa3: {  	[sflag:s29] =	ssyncadd.s32 $0xFFFFFF80  }
0xa4: {  	[spmem:s2] =	stream.indirect.scatter.add.f32 [tilespmem:s19], [sflag:$0x2], $0x80, s25, s20, $0xb8;
	[tilespmem:$0x18080] =	vst v63  }
0xa5: {  	_ =	swait.ge [sflag:s29], $0x80  }
0xa6: {  	[sflag:s29] =	ssyncset.done $0x0  }
0xa7: {  	[sflag:s29] =	ssyncadd.s32 $0xFFFFFF80  }
0xa8: {  	[spmem:s2] =	stream.indirect.scatter.add.f32 [tilespmem:s19], [sflag:$0x2], $0x80, s26, s20, $0xb8;
	[tilespmem:$0x18080] =	vst v63  }
0xa9: {  	_ =	swait.ge [sflag:s29], $0x80  }
0xaa: {  	[sflag:s29] =	ssyncset.done $0x0  }
0xab: {  	[sflag:s29] =	ssyncadd.s32 $0xFFFFFF80  }
0xac: {  	[spmem:s2] =	stream.indirect.scatter.add.f32 [tilespmem:s19], [sflag:$0x2], $0x80, s28, s20, $0xb8;
	[tilespmem:$0x18080] =	vst v63  }
0xad: {  	_ =	swait.ge [sflag:s30], $0x4000  }
0xae: {  	[sflag:s30] =	ssyncset.done $0x0  }
0xaf: {  	[sflag:s30] =	ssyncadd.s32 $0xFFFFC000  }
0xb0: {  	_ =	swait.ge [sflag:s30], $0x4000  }
0xb1: {  	[sflag:s30] =	ssyncset.done $0x0  }
0xb2: {  	[sflag:s30] =	ssyncadd.s32 $0xFFFFC000  }
0xb3: {  	_ =	swait.ge [sflag:s30], $0x4000  }
0xb4: {  	[sflag:s30] =	ssyncset.done $0x0  }
0xb5: {  	[sflag:s30] =	ssyncadd.s32 $0xFFFFC000  }
0xb6: {  	_ =	swait.ge [sflag:s30], $0x4000  }
0xb7: {  	[sflag:s30] =	ssyncset.done $0x0  }
0xb8: {  	[sflag:s30] =	ssyncadd.s32 $0xFFFFC000  }
0xb9: {  	_ =	swait.ge [sflag:s30], $0x4000  }
0xba: {  	[sflag:s30] =	ssyncset.done $0x0  }
0xbb: {  	[sflag:s30] =	ssyncadd.s32 $0xFFFFC000  }
0xbc: {  	_ =	swait.ge [sflag:s30], $0x4000  }
0xbd: {  	[sflag:s30] =	ssyncset.done $0x0  }
0xbe: {  	[sflag:s30] =	ssyncadd.s32 $0xFFFFC000  }
0xbf: {  	_ =	swait.ge [sflag:s30], $0x4000  }
0xc0: {  	[sflag:s30] =	ssyncset.done $0x0  }
0xc1: {  	p0 =	sne.s32 s1, $0x480;
	[sflag:s30] =	ssyncadd.s32 $0xFFFFC000  }
.Ltmp0:
0xc2: {  	_ =	swait.ge [sflag:s30], $0x4000;
	(pc) =	sbr.rel @p0 .LBB2_2-.Ltmp0, $4  }
0xc3: {  	[sflag:s30] =	ssyncset.done $0x0  }
0xc4: {  	[sflag:s30] =	ssyncadd.s32 $0xFFFFC000  }
0xc5: {  	s5 =	smov.u32 s1;
	s1 =	sadd.s32 $0x90, s1;
	_ =	swait.ge [sflag:s30], $0x4000  }
0xc6: {  	s0 =	smov.u32 s5;
	s4 =	rddreg [dreg:$0x4];
	[sflag:s30] =	ssyncset.done $0x0  }
0xc7: {  	[sflag:s30] =	ssyncadd.s32 $0xFFFFC000;
	s1 =	sadd.s32 s0, s4  }
0xc8: {  	[tilespmem:s3], [sflag:$0x1] =	stream.linear.gather [hbm4b:s1+s3], $0x80, $0x38;
	[tilespmem:$0x18080] =	vst v63  }
0xc9: {  	s4 =	sadd.s32 s0, s16  }
0xca: {  	[tilespmem:s20], [sflag:$0x1] =	stream.linear.gather [hbm4b:s4+s3], $0x80, $0x38;
	[tilespmem:$0x18080] =	vst v63  }
0xcb: {  	s5 =	sadd.s32 s0, s15  }
0xcc: {  	[tilespmem:s21], [sflag:$0x1] =	stream.linear.gather [hbm4b:s5+s3], $0x80, $0x38;
	[tilespmem:$0x18080] =	vst v63  }
0xcd: {  	s4 =	sadd.s32 s0, s14  }
0xce: {  	[tilespmem:s22], [sflag:$0x1] =	stream.linear.gather [hbm4b:s4+s3], $0x80, $0x38;
	[tilespmem:$0x18080] =	vst v63  }
0xcf: {  	s5 =	sadd.s32 s0, s13  }
0xd0: {  	[tilespmem:s23], [sflag:$0x1] =	stream.linear.gather [hbm4b:s5+s3], $0x80, $0x38;
	[tilespmem:$0x18080] =	vst v63  }
0xd1: {  	s4 =	sadd.s32 s0, s12  }
0xd2: {  	[tilespmem:s24], [sflag:$0x1] =	stream.linear.gather [hbm4b:s4+s3], $0x80, $0x38;
	[tilespmem:$0x18080] =	vst v63  }
0xd3: {  	s5 =	sadd.s32 s0, s11  }
0xd4: {  	[tilespmem:s25], [sflag:$0x1] =	stream.linear.gather [hbm4b:s5+s3], $0x80, $0x38;
	[tilespmem:$0x18080] =	vst v63  }
0xd5: {  	s4 =	sadd.s32 s0, s10  }
0xd6: {  	[tilespmem:s26], [sflag:$0x1] =	stream.linear.gather [hbm4b:s4+s3], $0x80, $0x38;
	[tilespmem:$0x18080] =	vst v63  }
0xd7: {  	s5 =	sadd.s32 s0, s9  }
0xd8: {  	[tilespmem:s28], [sflag:$0x1] =	stream.linear.gather [hbm4b:s5+s3], $0x80, $0x38;
	[tilespmem:$0x18080] =	vst v63  }
0xd9: {  	_ =	swait.ge [sflag:s29], $0x80  }
0xda: {  	[sflag:s29] =	ssyncset.done $0x0  }
0xdb: {  	[sflag:s29] =	ssyncadd.s32 $0xFFFFFF80  }
0xdc: {  	[spmem:s2] =	stream.indirect.scatter.add.f32 [tilespmem:s19], [sflag:$0x2], $0x80, s3, s20, $0xb8;
	[tilespmem:$0x18080] =	vst v63  }
0xdd: {  	_ =	swait.ge [sflag:s29], $0x80  }
0xde: {  	[sflag:s29] =	ssyncset.done $0x0  }
0xdf: {  	[sflag:s29] =	ssyncadd.s32 $0xFFFFFF80  }
0xe0: {  	[spmem:s2] =	stream.indirect.scatter.add.f32 [tilespmem:s19], [sflag:$0x2], $0x80, s20, s20, $0xb8;
	[tilespmem:$0x18080] =	vst v63  }
0xe1: {  	_ =	swait.ge [sflag:s29], $0x80  }
0xe2: {  	[sflag:s29] =	ssyncset.done $0x0  }
0xe3: {  	[sflag:s29] =	ssyncadd.s32 $0xFFFFFF80  }
0xe4: {  	[spmem:s2] =	stream.indirect.scatter.add.f32 [tilespmem:s19], [sflag:$0x2], $0x80, s21, s20, $0xb8;
	[tilespmem:$0x18080] =	vst v63  }
0xe5: {  	_ =	swait.ge [sflag:s29], $0x80  }
0xe6: {  	[sflag:s29] =	ssyncset.done $0x0  }
0xe7: {  	[sflag:s29] =	ssyncadd.s32 $0xFFFFFF80  }
0xe8: {  	[spmem:s2] =	stream.indirect.scatter.add.f32 [tilespmem:s19], [sflag:$0x2], $0x80, s22, s20, $0xb8;
	[tilespmem:$0x18080] =	vst v63  }
0xe9: {  	_ =	swait.ge [sflag:s29], $0x80  }
0xea: {  	[sflag:s29] =	ssyncset.done $0x0  }
0xeb: {  	[sflag:s29] =	ssyncadd.s32 $0xFFFFFF80  }
0xec: {  	[spmem:s2] =	stream.indirect.scatter.add.f32 [tilespmem:s19], [sflag:$0x2], $0x80, s23, s20, $0xb8;
	[tilespmem:$0x18080] =	vst v63  }
0xed: {  	_ =	swait.ge [sflag:s29], $0x80  }
0xee: {  	[sflag:s29] =	ssyncset.done $0x0  }
0xef: {  	[sflag:s29] =	ssyncadd.s32 $0xFFFFFF80  }
0xf0: {  	[spmem:s2] =	stream.indirect.scatter.add.f32 [tilespmem:s19], [sflag:$0x2], $0x80, s24, s20, $0xb8;
	[tilespmem:$0x18080] =	vst v63  }
0xf1: {  	_ =	swait.ge [sflag:s29], $0x80  }
0xf2: {  	[sflag:s29] =	ssyncset.done $0x0  }
0xf3: {  	[sflag:s29] =	ssyncadd.s32 $0xFFFFFF80  }
0xf4: {  	[spmem:s2] =	stream.indirect.scatter.add.f32 [tilespmem:s19], [sflag:$0x2], $0x80, s25, s20, $0xb8;
	[tilespmem:$0x18080] =	vst v63  }
0xf5: {  	_ =	swait.ge [sflag:s29], $0x80  }
0xf6: {  	[sflag:s29] =	ssyncset.done $0x0  }
0xf7: {  	[sflag:s29] =	ssyncadd.s32 $0xFFFFFF80  }
0xf8: {  	[spmem:s2] =	stream.indirect.scatter.add.f32 [tilespmem:s19], [sflag:$0x2], $0x80, s26, s20, $0xb8;
	[tilespmem:$0x18080] =	vst v63  }
0xf9: {  	_ =	swait.ge [sflag:s29], $0x80  }
0xfa: {  	[sflag:s29] =	ssyncset.done $0x0  }
0xfb: {  	[sflag:s29] =	ssyncadd.s32 $0xFFFFFF80  }
0xfc: {  	[spmem:s2] =	stream.indirect.scatter.add.f32 [tilespmem:s19], [sflag:$0x2], $0x80, s28, s20, $0xb8;
	[tilespmem:$0x18080] =	vst v63  }
0xfd: {  	_ =	swait.ge [sflag:s30], $0x4000  }
0xfe: {  	[sflag:s30] =	ssyncset.done $0x0  }
0xff: {  	[sflag:s30] =	ssyncadd.s32 $0xFFFFC000  }
0x100: {  	_ =	swait.ge [sflag:s30], $0x4000  }
0x101: {  	[sflag:s30] =	ssyncset.done $0x0  }
0x102: {  	[sflag:s30] =	ssyncadd.s32 $0xFFFFC000  }
0x103: {  	_ =	swait.ge [sflag:s30], $0x4000  }
0x104: {  	[sflag:s30] =	ssyncset.done $0x0  }
0x105: {  	[sflag:s30] =	ssyncadd.s32 $0xFFFFC000  }
0x106: {  	_ =	swait.ge [sflag:s30], $0x4000  }
0x107: {  	[sflag:s30] =	ssyncset.done $0x0  }
0x108: {  	[sflag:s30] =	ssyncadd.s32 $0xFFFFC000  }
0x109: {  	_ =	swait.ge [sflag:s30], $0x4000  }
0x10a: {  	[sflag:s30] =	ssyncset.done $0x0  }
0x10b: {  	[sflag:s30] =	ssyncadd.s32 $0xFFFFC000  }
0x10c: {  	_ =	swait.ge [sflag:s30], $0x4000  }
0x10d: {  	[sflag:s30] =	ssyncset.done $0x0  }
0x10e: {  	[sflag:s30] =	ssyncadd.s32 $0xFFFFC000  }
0x10f: {  	_ =	swait.ge [sflag:s30], $0x4000  }
0x110: {  	[sflag:s30] =	ssyncset.done $0x0  }
0x111: {  	[sflag:s30] =	ssyncadd.s32 $0xFFFFC000  }
0x112: {  	_ =	swait.ge [sflag:s30], $0x4000  }
0x113: {  	[sflag:s30] =	ssyncset.done $0x0  }
0x114: {  	[sflag:s30] =	ssyncadd.s32 $0xFFFFC000  }
0x115: {  	_ =	swait.ge [sflag:s30], $0x4000  }
0x116: {  	s31 =	sadd.s32 $0x1, s31;
	[sflag:s30] =	ssyncset.done $0x0  }
0x117: {  	p0 =	sne.s32 s31, s8;
	[sflag:s30] =	ssyncadd.s32 $0xFFFFC000  }
.Ltmp1:
0x118: {  	[bflag:$0x0] =	sbarrier.arrive $0xFFFF;
	(pc) =	sbr.rel @p0 .LBB2_1-.Ltmp1, $4  }
0x119: {  	[hbm:s7], [sflag:s6] =	dma.local [spmem:s17], $0x2780  }
0x11a: {  	_ =	swait.ge [sflag:s18], $0x2780  }
0x11b: {  	[sflag:s18] =	ssyncset.done $0x0  }
0x11c: {  	[sflag:s18] =	ssyncadd.s32 $0xFFFFD880  }
0x11d: {  	_ =	sfence.sel $0x180000  }
0x11e: {  	[bflag:$0x0] =	sbarrier.arrive $0xFFFF  }
0x11f: {  	_ =	strace $0x90000047  }
0x120: {  	s0 =	stileid.u32;
	[bflag:$0x2] =	sbarrier.arrive $0xFFFF  }
0x121: {  	p0 =	sne.s32 s0, $0x0;
	s0 =	rddreg [dreg:$0x3]  }
0x122: {  	s0 =	sadd.s32 @!p0 $0x100000, s0  }
0x123: {  	[sflag:s0] =	ssyncadd.tile.s32 @!p0 $0x1;
	_ =	shalt  }
.Lfunc_end2:
_tile_overlayer_lowered:
.L_overlay_start_2:
0x124: {  	(tag) =	ssettag $0x2  }
0x125: {  	s0 =	rddreg [dreg:$0x0];
	s2 =	stileid.u32  }
0x126: {  	s1 =	rddreg [dreg:$0x1];
	p0 =	sne.s32 s2, $0x0  }
0x127: {  	s3 =	rddreg [dreg:$0x2];
	[bflag:$0x3] =	sbarrier.arrive $0xFFFF;
	s2 =	simm.s32 @!p0 $0x1C03  }
0x128: {  	[timem:s3], [sflag:s2] =	dma.local @!p0 [hbm:s0], s1  }
0x129: {  	s0 =	simm.s32 @!p0 $0x3  }
0x12a: {  	_ =	swait.ge @!p0 [sflag:s0], s1  }
0x12b: {  	s1 =	ssub.s32 @!p0 $0x0, s1;
	[sflag:s0] =	ssyncset.done @!p0 $0x0  }
0x12c: {  	[sflag:s0] =	ssyncadd.s32 @!p0 s1  }
0x12d: {  	[bflag:$0x3] =	sbarrier.arrive $0xFFFF  }
0x12e: {  	_ =	shalt  }

</sc_bundles>
